<compile_context>
chip_gen: v7x
topology: tpu7x:2x2x1
jax: 0.10.2.dev20260603
libtpu: 0.0.44.dev20260713+nightly
codegen_flags: <defaults>
</compile_context>

<pallas_src>
import jax
import jax.numpy as jnp
from jax.experimental import pallas as pl
from jax.experimental.pallas import tpu as pltpu
from jax.experimental.pallas import tpu_sc as plsc

NUM_CODES = 8192
DIM = 256
TM = 1024
TN = 1024
NT = 8192 // TM
NC = NUM_CODES // TN
LOSS_SCALE = 0.25 / 2097152.0


def _row_sumsq(a):
    aa = a * a
    return jnp.sum(aa[:, :128] + aa[:, 128:], axis=1)


def _argmin_cols(d, base):
    rows = d.shape[0]
    vals = d
    idxs = jax.lax.broadcasted_iota(jnp.int32, d.shape, 0) + base
    while rows > 1:
        half = rows // 2
        a_v, b_v = vals[:half], vals[half:]
        a_i, b_i = idxs[:half], idxs[half:]
        take_b = (b_v < a_v) | ((b_v == a_v) & (b_i < a_i))
        vals = jnp.where(take_b, b_v, a_v)
        idxs = jnp.where(take_b, b_i, a_i)
        rows = half
    return vals[0], idxs[0]


def _vq_tc_body(x_ref, w_ref, idx_ref, loss_ref):
    tb = pl.program_id(0)
    x = x_ref[...]
    sx = _row_sumsq(x)
    x16 = x.astype(jnp.bfloat16)

    best_val = None
    best_idx = None
    for ci in range(NC):
        w = w_ref[ci * TN:(ci + 1) * TN, :]
        sw = _row_sumsq(w)
        mm = jax.lax.dot_general(
            w.astype(jnp.bfloat16), x16,
            (((1,), (1,)), ((), ())),
            preferred_element_type=jnp.float32)
        d = (sw[:, None] + sx[None, :]) - 2.0 * mm
        lval, lidx = _argmin_cols(d, ci * TN)
        if ci == 0:
            best_val, best_idx = lval, lidx
        else:
            take = lval < best_val
            best_idx = jnp.where(take, lidx, best_idx)
            best_val = jnp.where(take, lval, best_val)

    idx_ref[0, 0, :] = best_idx
    part = jnp.sum(best_val).reshape(1, 1)
    acc = jnp.where(tb == 0, part, loss_ref[...] + part)
    loss_ref[...] = jnp.where(tb == NT - 1, acc * LOSS_SCALE, acc)


def _vq_tc(x, weight):
    return pl.pallas_call(
        _vq_tc_body,
        grid=(NT,),
        in_specs=[
            pl.BlockSpec((TM, DIM), lambda tb: (tb, 0)),
            pl.BlockSpec((NUM_CODES, DIM), lambda tb: (0, 0)),
        ],
        out_specs=[
            pl.BlockSpec((1, 1, TM), lambda tb: (tb, 0, 0)),
            pl.BlockSpec((1, 1), lambda tb: (0, 0)),
        ],
        out_shape=[
            jax.ShapeDtypeStruct((NT, 1, TM), jnp.int32),
            jax.ShapeDtypeStruct((1, 1), jnp.float32),
        ],
    )(x, weight)


def _sc_gather(weight, idx):
    n = idx.shape[0]
    idx2d = idx.reshape(1, n)
    window = 128
    mesh = plsc.VectorSubcoreMesh(core_axis_name="core",
                                  subcore_axis_name="subcore")

    @pl.kernel(out_type=jax.ShapeDtypeStruct((n, DIM), weight.dtype),
               mesh=mesh)
    def gather_kernel(w_hbm, i_hbm, o_hbm):
        def body(i_vmem, o_vmem):
            pltpu.sync_copy(w_hbm.at[i_vmem.at[0]], o_vmem)

        pltpu.emit_pipeline(
            body,
            grid=(n // window,),
            in_specs=[pl.BlockSpec((1, window), lambda i: (0, i))],
            out_specs=[pl.BlockSpec((window, DIM), lambda i: (i, 0))],
            core_axis_name=("core", "subcore"),
            dimension_semantics=(pltpu.PARALLEL,),
        )(i_hbm, o_hbm)

    return gather_kernel(weight, idx2d)


def kernel(inputs, weight):
    b, c, h, w = inputs.shape
    x = jnp.transpose(inputs, (0, 2, 3, 1)).reshape(-1, DIM)
    idx3, loss2 = _vq_tc(x, weight)
    idx = idx3.reshape(-1)
    q = _sc_gather(weight, idx)
    quantized = jnp.transpose(q.reshape(b, h, w, DIM), (0, 3, 1, 2))
    return quantized, loss2.reshape(()), idx.reshape(b, h, w)

# --- scband reference (transcript-rebuilt; emitter-appended) ---
"""Pipeline reference for scband-vector-quantizer-42339787604802 (READ-ONLY COPY).

The authoritative reference and input builder live on the scoring server;
editing this copy changes nothing except your own understanding.
"""

import jax, jax.numpy as jnp
import numpy as np

NUM_EMBEDDINGS = 8192
EMBEDDING_DIM = 256
COMMITMENT_COST = 0.25


def setup_inputs(seed: int = 0) -> dict:
    key = jax.random.key(seed)
    k1, k2 = jax.random.split(key)
    inputs = jax.random.normal(k1, (8, 256, 32, 32), dtype=jnp.float32)
    weight = jax.random.uniform(k2, (NUM_EMBEDDINGS, EMBEDDING_DIM), dtype=jnp.float32,
                                minval=-1.0 / NUM_EMBEDDINGS, maxval=1.0 / NUM_EMBEDDINGS)
    return {"inputs": inputs, "weight": weight}


def reference(inputs, weight):
    # inputs: [B, C, H, W] -> [B, H, W, C]
    x = jnp.transpose(inputs, (0, 2, 3, 1))
    input_shape = x.shape
    flat_input = x.reshape(-1, EMBEDDING_DIM)
    # squared L2 distances to every codebook entry
    distances = (jnp.sum(flat_input ** 2, axis=1, keepdims=True)
                 + jnp.sum(weight ** 2, axis=1)
                 - 2.0 * jnp.matmul(flat_input, weight.T))
    encoding_indices = jnp.argmin(distances, axis=1)
    # one-hot @ weight is equivalent to gather rows of the codebook
    quantized = jnp.take(weight, encoding_indices, axis=0).reshape(input_shape)
    e_latent_loss = jnp.mean((jax.lax.stop_gradient(quantized) - x) ** 2)
    loss = COMMITMENT_COST * e_latent_loss
    # straight-through estimator
    quantized_st = x + jax.lax.stop_gradient(quantized - x)
    quantized_out = jnp.transpose(quantized_st, (0, 3, 1, 2))
    idx_out = encoding_indices.reshape(input_shape[0], input_shape[1], input_shape[2])
    return (quantized_out, loss, idx_out)

if __name__ == "__main__":
    import jax
    _d = setup_inputs()
    print(jax.jit(kernel)(*tuple(_d.values())))

</pallas_src>

<mosaic_0001>
#map = affine_map<(d0, d1) -> (0, 0)>
module attributes {stable_mosaic.version = 14 : i64} {
  func.func @gather_kernel(%arg0: i32, %arg1: i32, %arg2: memref<8192x256xf32, #tpu.memory_space<hbm>>, %arg3: memref<1x8192xi32, #tpu.memory_space<hbm>>, %arg4: memref<8192x256xf32, #tpu.memory_space<hbm>>) attributes {dimension_semantics = [#tpu.dimension_semantics<core_parallel>, #tpu.dimension_semantics<subcore_parallel>], iteration_bounds = array<i64: 2, 16>, scalar_prefetch = 0 : i64, scratch_operands = 0 : i64, tpu.core_type = #tpu.core_type<sc_vector_subcore>, window_params = [{transform_indices = #map}, {transform_indices = #map}, {transform_indices = #map}]} {
    %mul3A = arith.constant 1 : i32
    %mul3A_0 = arith.muli %arg1, %mul3A : i32
    %add3A = arith.constant 0 : i32
    %add3A_1 = arith.addi %add3A, %mul3A_0 : i32
    %mul3A_2 = arith.constant 16 : i32
    %mul3A_3 = arith.muli %arg0, %mul3A_2 : i32
    %add3A_4 = arith.addi %add3A_1, %mul3A_3 : i32
    %mul3A_5 = arith.constant 2 : i32
    %mul3A_6 = arith.muli %add3A_4, %mul3A_5 : i32
    "tpu.region"() ({
      %run_scoped3A = memref.alloca() : memref<2x1x128xi32, #tpu.memory_space<vmem>>
      %run_scoped3A_7 = tpu.sem_alloc : memref<2x!tpu.dma_semaphore, #tpu.memory_space<semaphore_mem>>
      %run_scoped3A_8 = memref.alloca() : memref<2x128x256xf32, #tpu.memory_space<vmem>>
      %run_scoped3A_9 = tpu.sem_alloc : memref<2x!tpu.dma_semaphore, #tpu.memory_space<semaphore_mem>>
      %add3A_10 = arith.constant 0 : i32
      %add3A_11 = arith.addi %add3A_10, %mul3A_6 : i32
      %select_n3A = arith.constant true
      %select_n3A_12 = arith.constant 0 : i32
      %select_n3A_13 = arith.constant -1 : i32
      %select_n3A_14 = arith.select %select_n3A, %select_n3A_13, %select_n3A_12 : i32
      %eq3A = arith.constant -1 : i32
      %eq3A_15 = arith.cmpi eq, %select_n3A_14, %eq3A : i32
      %select_n3A_16 = arith.constant 1 : i32
      %select_n3A_17 = arith.select %eq3A_15, %select_n3A_16, %select_n3A_14 : i32
      %add3A_18 = arith.addi %select_n3A_17, %mul3A_6 : i32
      %select_n3A_19 = arith.constant true
      %select_n3A_20 = arith.constant 0 : i32
      %select_n3A_21 = arith.constant 1 : i32
      %select_n3A_22 = arith.select %select_n3A_19, %select_n3A_21, %select_n3A_20 : i32
      %eq3A_23 = arith.constant 2 : i32
      %eq3A_24 = arith.cmpi eq, %select_n3A_22, %eq3A_23 : i32
      %select_n3A_25 = arith.constant 0 : i32
      %select_n3A_26 = arith.select %eq3A_24, %select_n3A_25, %select_n3A_22 : i32
      %add3A_27 = arith.addi %select_n3A_26, %mul3A_6 : i32
      %add3A_28 = arith.constant 1 : i32
      %add3A_29 = arith.addi %select_n3A_26, %add3A_28 : i32
      %select_n3A_30 = arith.constant true
      %select_n3A_31 = arith.select %select_n3A_30, %add3A_29, %select_n3A_26 : i32
      %eq3A_32 = arith.constant 2 : i32
      %eq3A_33 = arith.cmpi eq, %select_n3A_31, %eq3A_32 : i32
      %select_n3A_34 = arith.constant 0 : i32
      %select_n3A_35 = arith.select %eq3A_33, %select_n3A_34, %select_n3A_31 : i32
      %add3A_36 = arith.addi %select_n3A_35, %mul3A_6 : i32
      "tpu.trace_start"() <{level = 10 : i32, message = "ep_initialize_0"}> : () -> ()
      %rem3A = arith.constant 0 : i32
      %rem3A_37 = arith.constant 2 : i32
      %rem3A_38 = arith.remui %rem3A, %rem3A_37 : i32
      %mul3A_39 = arith.constant 128 : i32
      %mul3A_40 = arith.muli %mul3A_39, %add3A_11 : i32
      %dma_start3A = arith.constant 0 : i32
      %dma_start3A_41 = arith.constant 0 : i32
      %dma_start3A_42 = tpu.memref_slice %run_scoped3A[%rem3A_38, %dma_start3A, %dma_start3A_41] : memref<2x1x128xi32, #tpu.memory_space<vmem>> -> memref<1x1x128xi32, #tpu.memory_space<vmem>>
      %dma_start3A_43 = tpu.memref_squeeze %dma_start3A_42 : memref<1x1x128xi32, #tpu.memory_space<vmem>> -> memref<1x128xi32, #tpu.memory_space<vmem>>
      %dma_start3A_44 = arith.constant 0 : i32
      %dma_start3A_45 = tpu.memref_slice %arg3[%dma_start3A_44, %mul3A_40] : memref<1x8192xi32, #tpu.memory_space<hbm>> -> memref<1x128xi32, #tpu.memory_space<hbm>>
      %dma_start3A_46 = tpu.memref_slice %run_scoped3A_7[%rem3A_38] : memref<2x!tpu.dma_semaphore, #tpu.memory_space<semaphore_mem>> -> memref<1x!tpu.dma_semaphore, #tpu.memory_space<semaphore_mem>>
      %dma_start3A_47 = tpu.memref_squeeze %dma_start3A_46 : memref<1x!tpu.dma_semaphore, #tpu.memory_space<semaphore_mem>> -> memref<!tpu.dma_semaphore, #tpu.memory_space<semaphore_mem>>
      %dma_start3A_48 = arith.constant 0 : i32
      %dma_start3A_49 = arith.constant 0 : i32
      %dma_start3A_50 = tpu.memref_slice %run_scoped3A[%rem3A_38, %dma_start3A_48, %dma_start3A_49] : memref<2x1x128xi32, #tpu.memory_space<vmem>> -> memref<1x1x128xi32, #tpu.memory_space<vmem>>
      %dma_start3A_51 = tpu.memref_squeeze %dma_start3A_50 : memref<1x1x128xi32, #tpu.memory_space<vmem>> -> memref<1x128xi32, #tpu.memory_space<vmem>>
      %dma_start3A_52 = arith.constant 0 : i32
      %dma_start3A_53 = tpu.memref_slice %arg3[%dma_start3A_52, %mul3A_40] : memref<1x8192xi32, #tpu.memory_space<hbm>> -> memref<1x128xi32, #tpu.memory_space<hbm>>
      tpu.enqueue_dma source(%dma_start3A_53 : memref<1x128xi32, #tpu.memory_space<hbm>>) target(%dma_start3A_51 : memref<1x128xi32, #tpu.memory_space<vmem>>) target_semaphore(%dma_start3A_47 : memref<!tpu.dma_semaphore, #tpu.memory_space<semaphore_mem>>)
      %add3A_54 = arith.constant 0 : i32
      %add3A_55 = arith.constant 1 : i32
      %add3A_56 = arith.addi %add3A_54, %add3A_55 : i32
      %select_n3A_57 = arith.constant true
      %select_n3A_58 = arith.constant 0 : i32
      %select_n3A_59 = arith.select %select_n3A_57, %add3A_56, %select_n3A_58 : i32
      "tpu.trace_stop"() : () -> ()
      %scan3A = arith.constant 0 : i32
      %scan3A_60 = arith.constant 0 : i32
      %scan3A_61 = arith.constant 0 : i32
      %scan3A_62 = arith.constant 0 : i32
      %scan3A_63 = arith.constant 0 : i32
      %scan3A_64 = arith.constant 2 : i32
      %scan3A_65 = arith.addi %scan3A_63, %scan3A_64 : i32
      %scan3A_66 = arith.constant 1 : i32
      %scan3A_67:5 = scf.for %scan3A_121 = %scan3A_63 to %scan3A_65 step %scan3A_66 iter_args(%scan3A_122 = %select_n3A_59, %scan3A_123 = %scan3A, %scan3A_124 = %scan3A_60, %scan3A_125 = %scan3A_61, %scan3A_126 = %scan3A_62) -> (i32, i32, i32, i32, i32)  : i32 {
        %eq3A_127 = arith.constant 0 : i32
        %eq3A_128 = arith.cmpi eq, %scan3A_121, %eq3A_127 : i32
        %eq3A_129 = arith.constant 1 : i32
        %eq3A_130 = arith.cmpi eq, %scan3A_121, %eq3A_129 : i32
        %add3A_131 = arith.addi %scan3A_126, %mul3A_6 : i32
        %sub3A_132 = arith.constant 1 : i32
        %sub3A_133 = arith.subi %scan3A_126, %sub3A_132 : i32
        %select_n3A_134 = arith.constant true
        %select_n3A_135 = arith.select %select_n3A_134, %sub3A_133, %scan3A_126 : i32
        %eq3A_136 = arith.constant -1 : i32
        %eq3A_137 = arith.cmpi eq, %select_n3A_135, %eq3A_136 : i32
        %select_n3A_138 = arith.constant 1 : i32
        %select_n3A_139 = arith.select %eq3A_137, %select_n3A_138, %select_n3A_135 : i32
        %add3A_140 = arith.addi %select_n3A_139, %mul3A_6 : i32
        %add3A_141 = arith.constant 1 : i32
        %add3A_142 = arith.addi %scan3A_126, %add3A_141 : i32
        %select_n3A_143 = arith.constant true
        %select_n3A_144 = arith.select %select_n3A_143, %add3A_142, %scan3A_126 : i32
        %eq3A_145 = arith.constant 2 : i32
        %eq3A_146 = arith.cmpi eq, %select_n3A_144, %eq3A_145 : i32
        %select_n3A_147 = arith.constant 0 : i32
        %select_n3A_148 = arith.select %eq3A_146, %select_n3A_147, %select_n3A_144 : i32
        %add3A_149 = arith.addi %select_n3A_148, %mul3A_6 : i32
        %add3A_150 = arith.constant 1 : i32
        %add3A_151 = arith.addi %select_n3A_148, %add3A_150 : i32
        %select_n3A_152 = arith.constant true
        %select_n3A_153 = arith.select %select_n3A_152, %add3A_151, %select_n3A_148 : i32
        %eq3A_154 = arith.constant 2 : i32
        %eq3A_155 = arith.cmpi eq, %select_n3A_153, %eq3A_154 : i32
        %select_n3A_156 = arith.constant 0 : i32
        %select_n3A_157 = arith.select %eq3A_155, %select_n3A_156, %select_n3A_153 : i32
        %add3A_158 = arith.addi %select_n3A_157, %mul3A_6 : i32
        %ne3A = arith.cmpi ne, %add3A_131, %add3A_149 : i32
        %or3A = arith.constant false
        %or3A_159 = arith.ori %or3A, %ne3A : i1
        %ge3A = arith.constant 1 : i32
        %ge3A_160 = arith.cmpi sge, %scan3A_121, %ge3A : i32
        %not3A = arith.constant true
        %not3A_161 = arith.xori %ge3A_160, %not3A : i1
        %and3A = arith.andi %or3A_159, %not3A_161 : i1
        %convert_element_type3A = arith.extui %and3A : i1 to i32
        %cond3A = arith.constant 0 : i32
        %cond3A_162 = arith.cmpi ne, %convert_element_type3A, %cond3A : i32
        scf.if %cond3A_162 {
          "tpu.trace_start"() <{level = 10 : i32, message = "ep_copy_in"}> : () -> ()
          %rem3A_264 = arith.constant 2 : i32
          %rem3A_265 = arith.remui %scan3A_122, %rem3A_264 : i32
          %mul3A_266 = arith.constant 128 : i32
          %mul3A_267 = arith.muli %mul3A_266, %add3A_149 : i32
          %dma_start3A_268 = arith.constant 0 : i32
          %dma_start3A_269 = arith.constant 0 : i32
          %dma_start3A_270 = tpu.memref_slice %run_scoped3A[%rem3A_265, %dma_start3A_268, %dma_start3A_269] : memref<2x1x128xi32, #tpu.memory_space<vmem>> -> memref<1x1x128xi32, #tpu.memory_space<vmem>>
          %dma_start3A_271 = tpu.memref_squeeze %dma_start3A_270 : memref<1x1x128xi32, #tpu.memory_space<vmem>> -> memref<1x128xi32, #tpu.memory_space<vmem>>
          %dma_start3A_272 = arith.constant 0 : i32
          %dma_start3A_273 = tpu.memref_slice %arg3[%dma_start3A_272, %mul3A_267] : memref<1x8192xi32, #tpu.memory_space<hbm>> -> memref<1x128xi32, #tpu.memory_space<hbm>>
          %dma_start3A_274 = tpu.memref_slice %run_scoped3A_7[%rem3A_265] : memref<2x!tpu.dma_semaphore, #tpu.memory_space<semaphore_mem>> -> memref<1x!tpu.dma_semaphore, #tpu.memory_space<semaphore_mem>>
          %dma_start3A_275 = tpu.memref_squeeze %dma_start3A_274 : memref<1x!tpu.dma_semaphore, #tpu.memory_space<semaphore_mem>> -> memref<!tpu.dma_semaphore, #tpu.memory_space<semaphore_mem>>
          %dma_start3A_276 = arith.constant 0 : i32
          %dma_start3A_277 = arith.constant 0 : i32
          %dma_start3A_278 = tpu.memref_slice %run_scoped3A[%rem3A_265, %dma_start3A_276, %dma_start3A_277] : memref<2x1x128xi32, #tpu.memory_space<vmem>> -> memref<1x1x128xi32, #tpu.memory_space<vmem>>
          %dma_start3A_279 = tpu.memref_squeeze %dma_start3A_278 : memref<1x1x128xi32, #tpu.memory_space<vmem>> -> memref<1x128xi32, #tpu.memory_space<vmem>>
          %dma_start3A_280 = arith.constant 0 : i32
          %dma_start3A_281 = tpu.memref_slice %arg3[%dma_start3A_280, %mul3A_267] : memref<1x8192xi32, #tpu.memory_space<hbm>> -> memref<1x128xi32, #tpu.memory_space<hbm>>
          tpu.enqueue_dma source(%dma_start3A_281 : memref<1x128xi32, #tpu.memory_space<hbm>>) target(%dma_start3A_279 : memref<1x128xi32, #tpu.memory_space<vmem>>) target_semaphore(%dma_start3A_275 : memref<!tpu.dma_semaphore, #tpu.memory_space<semaphore_mem>>)
          "tpu.trace_stop"() : () -> ()
        } else {
        }
        %and3A_163 = arith.constant true
        %and3A_164 = arith.andi %and3A, %and3A_163 : i1
        %add3A_165 = arith.constant 1 : i32
        %add3A_166 = arith.addi %scan3A_122, %add3A_165 : i32
        %select_n3A_167 = arith.select %and3A_164, %add3A_166, %scan3A_122 : i32
        %ne3A_168 = arith.cmpi ne, %add3A_131, %add3A_149 : i32
        %or3A_169 = arith.constant false
        %or3A_170 = arith.ori %or3A_169, %ne3A_168 : i1
        %or3A_171 = arith.constant false
        %or3A_172 = arith.ori %or3A_170, %or3A_171 : i1
        %ge3A_173 = arith.constant 1 : i32
        %ge3A_174 = arith.cmpi sge, %scan3A_121, %ge3A_173 : i32
        %not3A_175 = arith.constant true
        %not3A_176 = arith.xori %ge3A_174, %not3A_175 : i1
        %and3A_177 = arith.andi %or3A_172, %not3A_176 : i1
        %ne3A_178 = arith.cmpi ne, %add3A_131, %add3A_140 : i32
        %or3A_179 = arith.constant false
        %or3A_180 = arith.ori %or3A_179, %ne3A_178 : i1
        %or3A_181 = arith.ori %or3A_180, %eq3A_128 : i1
        %convert_element_type3A_182 = arith.extui %or3A_181 : i1 to i32
        %cond3A_183 = arith.constant 0 : i32
        %cond3A_184 = arith.cmpi ne, %convert_element_type3A_182, %cond3A_183 : i32
        scf.if %cond3A_184 {
          "tpu.trace_start"() <{level = 10 : i32, message = "ep_wait_in"}> : () -> ()
          %mul3A_264 = arith.constant 128 : i32
          %mul3A_265 = arith.muli %mul3A_264, %add3A_131 : i32
          %rem3A_266 = arith.constant 2 : i32
          %rem3A_267 = arith.remui %scan3A_123, %rem3A_266 : i32
          %dma_wait3A_268 = arith.constant 0 : i32
          %dma_wait3A_269 = arith.constant 0 : i32
          %dma_wait3A_270 = tpu.memref_slice %run_scoped3A[%rem3A_267, %dma_wait3A_268, %dma_wait3A_269] : memref<2x1x128xi32, #tpu.memory_space<vmem>> -> memref<1x1x128xi32, #tpu.memory_space<vmem>>
          %dma_wait3A_271 = tpu.memref_squeeze %dma_wait3A_270 : memref<1x1x128xi32, #tpu.memory_space<vmem>> -> memref<1x128xi32, #tpu.memory_space<vmem>>
          %dma_wait3A_272 = arith.constant 0 : i32
          %dma_wait3A_273 = tpu.memref_slice %arg3[%dma_wait3A_272, %mul3A_265] : memref<1x8192xi32, #tpu.memory_space<hbm>> -> memref<1x128xi32, #tpu.memory_space<hbm>>
          %dma_wait3A_274 = tpu.memref_slice %run_scoped3A_7[%rem3A_267] : memref<2x!tpu.dma_semaphore, #tpu.memory_space<semaphore_mem>> -> memref<1x!tpu.dma_semaphore, #tpu.memory_space<semaphore_mem>>
          %dma_wait3A_275 = tpu.memref_squeeze %dma_wait3A_274 : memref<1x!tpu.dma_semaphore, #tpu.memory_space<semaphore_mem>> -> memref<!tpu.dma_semaphore, #tpu.memory_space<semaphore_mem>>
          %dma_wait3A_276 = arith.constant 0 : i32
          %dma_wait3A_277 = arith.constant 0 : i32
          %dma_wait3A_278 = tpu.memref_slice %run_scoped3A[%rem3A_267, %dma_wait3A_276, %dma_wait3A_277] : memref<2x1x128xi32, #tpu.memory_space<vmem>> -> memref<1x1x128xi32, #tpu.memory_space<vmem>>
          %dma_wait3A_279 = tpu.memref_squeeze %dma_wait3A_278 : memref<1x1x128xi32, #tpu.memory_space<vmem>> -> memref<1x128xi32, #tpu.memory_space<vmem>>
          %dma_wait3A_280 = arith.constant 0 : i32
          %dma_wait3A_281 = tpu.memref_slice %arg3[%dma_wait3A_280, %mul3A_265] : memref<1x8192xi32, #tpu.memory_space<hbm>> -> memref<1x128xi32, #tpu.memory_space<hbm>>
          tpu.wait_dma2 semaphore(%dma_wait3A_275 : memref<!tpu.dma_semaphore, #tpu.memory_space<semaphore_mem>>) src(%dma_wait3A_281 : memref<1x128xi32, #tpu.memory_space<hbm>>) dst(%dma_wait3A_279 : memref<1x128xi32, #tpu.memory_space<vmem>>)
          "tpu.trace_stop"() : () -> ()
        } else {
        }
        %ne3A_185 = arith.cmpi ne, %add3A_131, %add3A_140 : i32
        %or3A_186 = arith.constant false
        %or3A_187 = arith.ori %or3A_186, %ne3A_185 : i1
        %or3A_188 = arith.constant false
        %or3A_189 = arith.ori %or3A_187, %or3A_188 : i1
        %or3A_190 = arith.ori %or3A_189, %eq3A_128 : i1
        %convert_element_type3A_191 = arith.extui %or3A_190 : i1 to i32
        %cond3A_192 = arith.constant 0 : i32
        %cond3A_193 = arith.cmpi ne, %convert_element_type3A_191, %cond3A_192 : i32
        scf.if %cond3A_193 {
        } else {
        }
        %rem3A_194 = arith.constant 2 : i32
        %rem3A_195 = arith.remui %scan3A_123, %rem3A_194 : i32
        %rem3A_196 = arith.constant 2 : i32
        %rem3A_197 = arith.remui %scan3A_124, %rem3A_196 : i32
        %run_scoped3A_198 = arith.constant 0 : i32
        "tpu.trace_start"() <{level = 10 : i32, message = "ep_run_kernel"}> : () -> ()
        "tpu.region"() ({
          %run_scoped3A_264 = tpu.sem_alloc : memref<!tpu.dma_semaphore, #tpu.memory_space<semaphore_mem>>
          %dma_start3A_265 = arith.constant 0 : i32
          %dma_start3A_266 = arith.constant 0 : i32
          %dma_start3A_267 = tpu.memref_slice %run_scoped3A_8[%rem3A_197, %dma_start3A_265, %dma_start3A_266] : memref<2x128x256xf32, #tpu.memory_space<vmem>> -> memref<1x128x256xf32, #tpu.memory_space<vmem>>
          %dma_start3A_268 = tpu.memref_squeeze %dma_start3A_267 : memref<1x128x256xf32, #tpu.memory_space<vmem>> -> memref<128x256xf32, #tpu.memory_space<vmem>>
          %dma_start3A_269 = arith.constant 0 : i32
          %dma_start3A_270 = arith.constant 0 : i32
          %dma_start3A_271 = tpu.memref_slice %run_scoped3A[%rem3A_195, %dma_start3A_269, %dma_start3A_270] : memref<2x1x128xi32, #tpu.memory_space<vmem>> -> memref<1x1x128xi32, #tpu.memory_space<vmem>>
          %dma_start3A_272 = tpu.memref_squeeze %dma_start3A_271 : memref<1x1x128xi32, #tpu.memory_space<vmem>> -> memref<1x128xi32, #tpu.memory_space<vmem>>
          %dma_start3A_273 = arith.constant 0 : i32
          %dma_start3A_274 = tpu.memref_slice %dma_start3A_272[%run_scoped3A_198, %dma_start3A_273] : memref<1x128xi32, #tpu.memory_space<vmem>> -> memref<1x128xi32, #tpu.memory_space<vmem>>
          %dma_start3A_275 = tpu.memref_squeeze %dma_start3A_274 : memref<1x128xi32, #tpu.memory_space<vmem>> -> memref<128xi32, #tpu.memory_space<vmem>>
          %dma_start3A_276 = arith.constant 0 : i32
          %dma_start3A_277 = arith.constant 0 : i32
          %dma_start3A_278 = tpu.memref_slice %arg2[%dma_start3A_276, %dma_start3A_277] : memref<8192x256xf32, #tpu.memory_space<hbm>> -> memref<8192x256xf32, #tpu.memory_space<hbm>>
          tpu.enqueue_indirect_dma source(%dma_start3A_278 : memref<8192x256xf32, #tpu.memory_space<hbm>>) target(%dma_start3A_268 : memref<128x256xf32, #tpu.memory_space<vmem>>) offsets(%dma_start3A_275 : memref<128xi32, #tpu.memory_space<vmem>>) semaphore(%run_scoped3A_264 : memref<!tpu.dma_semaphore, #tpu.memory_space<semaphore_mem>>)
          %dma_wait3A_279 = arith.constant 0 : i32
          %dma_wait3A_280 = arith.constant 0 : i32
          %dma_wait3A_281 = tpu.memref_slice %run_scoped3A_8[%rem3A_197, %dma_wait3A_279, %dma_wait3A_280] : memref<2x128x256xf32, #tpu.memory_space<vmem>> -> memref<1x128x256xf32, #tpu.memory_space<vmem>>
          %dma_wait3A_282 = tpu.memref_squeeze %dma_wait3A_281 : memref<1x128x256xf32, #tpu.memory_space<vmem>> -> memref<128x256xf32, #tpu.memory_space<vmem>>
          %dma_wait3A_283 = arith.constant 0 : i32
          %dma_wait3A_284 = arith.constant 0 : i32
          %dma_wait3A_285 = tpu.memref_slice %run_scoped3A[%rem3A_195, %dma_wait3A_283, %dma_wait3A_284] : memref<2x1x128xi32, #tpu.memory_space<vmem>> -> memref<1x1x128xi32, #tpu.memory_space<vmem>>
          %dma_wait3A_286 = tpu.memref_squeeze %dma_wait3A_285 : memref<1x1x128xi32, #tpu.memory_space<vmem>> -> memref<1x128xi32, #tpu.memory_space<vmem>>
          %dma_wait3A_287 = arith.constant 0 : i32
          %dma_wait3A_288 = tpu.memref_slice %dma_wait3A_286[%run_scoped3A_198, %dma_wait3A_287] : memref<1x128xi32, #tpu.memory_space<vmem>> -> memref<1x128xi32, #tpu.memory_space<vmem>>
          %dma_wait3A_289 = tpu.memref_squeeze %dma_wait3A_288 : memref<1x128xi32, #tpu.memory_space<vmem>> -> memref<128xi32, #tpu.memory_space<vmem>>
          %dma_wait3A_290 = arith.constant 0 : i32
          %dma_wait3A_291 = arith.constant 0 : i32
          %dma_wait3A_292 = tpu.memref_slice %arg2[%dma_wait3A_290, %dma_wait3A_291] : memref<8192x256xf32, #tpu.memory_space<hbm>> -> memref<8192x256xf32, #tpu.memory_space<hbm>>
          tpu.wait_indirect_dma semaphore(%run_scoped3A_264 : memref<!tpu.dma_semaphore, #tpu.memory_space<semaphore_mem>>) src(%dma_wait3A_292 : memref<8192x256xf32, #tpu.memory_space<hbm>>) dst(%dma_wait3A_282 : memref<128x256xf32, #tpu.memory_space<vmem>>)
          tpu.yield
        }) : () -> ()
        "tpu.trace_stop"() : () -> ()
        %ne3A_199 = arith.cmpi ne, %add3A_131, %add3A_149 : i32
        %or3A_200 = arith.constant false
        %or3A_201 = arith.ori %or3A_200, %ne3A_199 : i1
        %or3A_202 = arith.ori %or3A_201, %eq3A_130 : i1
        %convert_element_type3A_203 = arith.extui %or3A_202 : i1 to i32
        %cond3A_204 = arith.constant 0 : i32
        %cond3A_205 = arith.cmpi ne, %convert_element_type3A_203, %cond3A_204 : i32
        scf.if %cond3A_205 {
        } else {
        }
        %and3A_206 = arith.constant false
        %and3A_207 = arith.andi %or3A_202, %and3A_206 : i1
        %ne3A_208 = arith.cmpi ne, %add3A_131, %add3A_149 : i32
        %or3A_209 = arith.constant false
        %or3A_210 = arith.ori %or3A_209, %ne3A_208 : i1
        %or3A_211 = arith.constant false
        %or3A_212 = arith.ori %or3A_210, %or3A_211 : i1
        %or3A_213 = arith.ori %or3A_212, %eq3A_130 : i1
        %convert_element_type3A_214 = arith.extui %or3A_213 : i1 to i32
        %cond3A_215 = arith.constant 0 : i32
        %cond3A_216 = arith.cmpi ne, %convert_element_type3A_214, %cond3A_215 : i32
        scf.if %cond3A_216 {
          "tpu.trace_start"() <{level = 10 : i32, message = "ep_copy_out"}> : () -> ()
          %rem3A_264 = arith.constant 2 : i32
          %rem3A_265 = arith.remui %scan3A_124, %rem3A_264 : i32
          %mul3A_266 = arith.constant 128 : i32
          %mul3A_267 = arith.muli %mul3A_266, %add3A_131 : i32
          %dma_start3A_268 = arith.constant 0 : i32
          %dma_start3A_269 = arith.constant 0 : i32
          %dma_start3A_270 = tpu.memref_slice %run_scoped3A_8[%rem3A_265, %dma_start3A_268, %dma_start3A_269] : memref<2x128x256xf32, #tpu.memory_space<vmem>> -> memref<1x128x256xf32, #tpu.memory_space<vmem>>
          %dma_start3A_271 = tpu.memref_squeeze %dma_start3A_270 : memref<1x128x256xf32, #tpu.memory_space<vmem>> -> memref<128x256xf32, #tpu.memory_space<vmem>>
          %dma_start3A_272 = arith.constant 0 : i32
          %dma_start3A_273 = tpu.memref_slice %arg4[%mul3A_267, %dma_start3A_272] : memref<8192x256xf32, #tpu.memory_space<hbm>> -> memref<128x256xf32, #tpu.memory_space<hbm>>
          %dma_start3A_274 = tpu.memref_slice %run_scoped3A_9[%rem3A_265] : memref<2x!tpu.dma_semaphore, #tpu.memory_space<semaphore_mem>> -> memref<1x!tpu.dma_semaphore, #tpu.memory_space<semaphore_mem>>
          %dma_start3A_275 = tpu.memref_squeeze %dma_start3A_274 : memref<1x!tpu.dma_semaphore, #tpu.memory_space<semaphore_mem>> -> memref<!tpu.dma_semaphore, #tpu.memory_space<semaphore_mem>>
          %dma_start3A_276 = arith.constant 0 : i32
          %dma_start3A_277 = tpu.memref_slice %arg4[%mul3A_267, %dma_start3A_276] : memref<8192x256xf32, #tpu.memory_space<hbm>> -> memref<128x256xf32, #tpu.memory_space<hbm>>
          %dma_start3A_278 = arith.constant 0 : i32
          %dma_start3A_279 = arith.constant 0 : i32
          %dma_start3A_280 = tpu.memref_slice %run_scoped3A_8[%rem3A_265, %dma_start3A_278, %dma_start3A_279] : memref<2x128x256xf32, #tpu.memory_space<vmem>> -> memref<1x128x256xf32, #tpu.memory_space<vmem>>
          %dma_start3A_281 = tpu.memref_squeeze %dma_start3A_280 : memref<1x128x256xf32, #tpu.memory_space<vmem>> -> memref<128x256xf32, #tpu.memory_space<vmem>>
          tpu.enqueue_dma source(%dma_start3A_281 : memref<128x256xf32, #tpu.memory_space<vmem>>) target(%dma_start3A_277 : memref<128x256xf32, #tpu.memory_space<hbm>>) target_semaphore(%dma_start3A_275 : memref<!tpu.dma_semaphore, #tpu.memory_space<semaphore_mem>>)
          "tpu.trace_stop"() : () -> ()
        } else {
        }
        %and3A_217 = arith.constant true
        %and3A_218 = arith.andi %or3A_213, %and3A_217 : i1
        %add3A_219 = arith.constant 1 : i32
        %add3A_220 = arith.addi %scan3A_124, %add3A_219 : i32
        %select_n3A_221 = arith.select %and3A_218, %add3A_220, %scan3A_124 : i32
        %ne3A_222 = arith.cmpi ne, %add3A_131, %add3A_140 : i32
        %or3A_223 = arith.constant false
        %or3A_224 = arith.ori %or3A_223, %ne3A_222 : i1
        %not3A_225 = arith.constant true
        %not3A_226 = arith.xori %eq3A_128, %not3A_225 : i1
        %and3A_227 = arith.andi %or3A_224, %not3A_226 : i1
        %convert_element_type3A_228 = arith.extui %and3A_227 : i1 to i32
        %cond3A_229 = arith.constant 0 : i32
        %cond3A_230 = arith.cmpi ne, %convert_element_type3A_228, %cond3A_229 : i32
        scf.if %cond3A_230 {
        } else {
        }
        %and3A_231 = arith.constant false
        %and3A_232 = arith.andi %and3A_227, %and3A_231 : i1
        %ne3A_233 = arith.cmpi ne, %add3A_131, %add3A_140 : i32
        %or3A_234 = arith.constant false
        %or3A_235 = arith.ori %or3A_234, %ne3A_233 : i1
        %or3A_236 = arith.constant false
        %or3A_237 = arith.ori %or3A_235, %or3A_236 : i1
        %not3A_238 = arith.constant true
        %not3A_239 = arith.xori %eq3A_128, %not3A_238 : i1
        %and3A_240 = arith.andi %or3A_237, %not3A_239 : i1
        %convert_element_type3A_241 = arith.extui %and3A_240 : i1 to i32
        %cond3A_242 = arith.constant 0 : i32
        %cond3A_243 = arith.cmpi ne, %convert_element_type3A_241, %cond3A_242 : i32
        scf.if %cond3A_243 {
          "tpu.trace_start"() <{level = 10 : i32, message = "ep_wait_out"}> : () -> ()
          %rem3A_264 = arith.constant 2 : i32
          %rem3A_265 = arith.remui %scan3A_125, %rem3A_264 : i32
          %mul3A_266 = arith.constant 128 : i32
          %mul3A_267 = arith.muli %mul3A_266, %add3A_140 : i32
          %dma_wait3A_268 = arith.constant 0 : i32
          %dma_wait3A_269 = arith.constant 0 : i32
          %dma_wait3A_270 = tpu.memref_slice %run_scoped3A_8[%rem3A_265, %dma_wait3A_268, %dma_wait3A_269] : memref<2x128x256xf32, #tpu.memory_space<vmem>> -> memref<1x128x256xf32, #tpu.memory_space<vmem>>
          %dma_wait3A_271 = tpu.memref_squeeze %dma_wait3A_270 : memref<1x128x256xf32, #tpu.memory_space<vmem>> -> memref<128x256xf32, #tpu.memory_space<vmem>>
          %dma_wait3A_272 = arith.constant 0 : i32
          %dma_wait3A_273 = tpu.memref_slice %arg4[%mul3A_267, %dma_wait3A_272] : memref<8192x256xf32, #tpu.memory_space<hbm>> -> memref<128x256xf32, #tpu.memory_space<hbm>>
          %dma_wait3A_274 = tpu.memref_slice %run_scoped3A_9[%rem3A_265] : memref<2x!tpu.dma_semaphore, #tpu.memory_space<semaphore_mem>> -> memref<1x!tpu.dma_semaphore, #tpu.memory_space<semaphore_mem>>
          %dma_wait3A_275 = tpu.memref_squeeze %dma_wait3A_274 : memref<1x!tpu.dma_semaphore, #tpu.memory_space<semaphore_mem>> -> memref<!tpu.dma_semaphore, #tpu.memory_space<semaphore_mem>>
          %dma_wait3A_276 = arith.constant 0 : i32
          %dma_wait3A_277 = tpu.memref_slice %arg4[%mul3A_267, %dma_wait3A_276] : memref<8192x256xf32, #tpu.memory_space<hbm>> -> memref<128x256xf32, #tpu.memory_space<hbm>>
          %dma_wait3A_278 = arith.constant 0 : i32
          %dma_wait3A_279 = arith.constant 0 : i32
          %dma_wait3A_280 = tpu.memref_slice %run_scoped3A_8[%rem3A_265, %dma_wait3A_278, %dma_wait3A_279] : memref<2x128x256xf32, #tpu.memory_space<vmem>> -> memref<1x128x256xf32, #tpu.memory_space<vmem>>
          %dma_wait3A_281 = tpu.memref_squeeze %dma_wait3A_280 : memref<1x128x256xf32, #tpu.memory_space<vmem>> -> memref<128x256xf32, #tpu.memory_space<vmem>>
          tpu.wait_dma2 semaphore(%dma_wait3A_275 : memref<!tpu.dma_semaphore, #tpu.memory_space<semaphore_mem>>) src(%dma_wait3A_281 : memref<128x256xf32, #tpu.memory_space<vmem>>) dst(%dma_wait3A_277 : memref<128x256xf32, #tpu.memory_space<hbm>>)
          "tpu.trace_stop"() : () -> ()
        } else {
        }
        %and3A_244 = arith.constant true
        %and3A_245 = arith.andi %and3A_240, %and3A_244 : i1
        %add3A_246 = arith.constant 1 : i32
        %add3A_247 = arith.addi %scan3A_125, %add3A_246 : i32
        %select_n3A_248 = arith.select %and3A_245, %add3A_247, %scan3A_125 : i32
        %ne3A_249 = arith.cmpi ne, %add3A_131, %add3A_149 : i32
        %or3A_250 = arith.constant false
        %or3A_251 = arith.ori %or3A_250, %ne3A_249 : i1
        %or3A_252 = arith.ori %or3A_251, %eq3A_130 : i1
        %add3A_253 = arith.constant 1 : i32
        %add3A_254 = arith.addi %scan3A_123, %add3A_253 : i32
        %select_n3A_255 = arith.select %or3A_252, %add3A_254, %scan3A_123 : i32
        %add3A_256 = arith.constant 1 : i32
        %add3A_257 = arith.addi %scan3A_126, %add3A_256 : i32
        %select_n3A_258 = arith.constant true
        %select_n3A_259 = arith.select %select_n3A_258, %add3A_257, %scan3A_126 : i32
        %eq3A_260 = arith.constant 2 : i32
        %eq3A_261 = arith.cmpi eq, %select_n3A_259, %eq3A_260 : i32
        %select_n3A_262 = arith.constant 0 : i32
        %select_n3A_263 = arith.select %eq3A_261, %select_n3A_262, %select_n3A_259 : i32
        scf.yield %select_n3A_167, %select_n3A_255, %select_n3A_221, %select_n3A_248, %select_n3A_263 : i32, i32, i32, i32, i32
      }
      %scan3A_68 = arith.constant 2 : i32
      %sub3A = arith.constant 1 : i32
      %sub3A_69 = arith.subi %scan3A_67#4, %sub3A : i32
      %select_n3A_70 = arith.constant true
      %select_n3A_71 = arith.select %select_n3A_70, %sub3A_69, %scan3A_67#4 : i32
      %eq3A_72 = arith.constant -1 : i32
      %eq3A_73 = arith.cmpi eq, %select_n3A_71, %eq3A_72 : i32
      %select_n3A_74 = arith.constant 1 : i32
      %select_n3A_75 = arith.select %eq3A_73, %select_n3A_74, %select_n3A_71 : i32
      %add3A_76 = arith.addi %select_n3A_75, %mul3A_6 : i32
      %sub3A_77 = arith.constant 1 : i32
      %sub3A_78 = arith.subi %select_n3A_75, %sub3A_77 : i32
      %select_n3A_79 = arith.constant true
      %select_n3A_80 = arith.select %select_n3A_79, %sub3A_78, %select_n3A_75 : i32
      %eq3A_81 = arith.constant -1 : i32
      %eq3A_82 = arith.cmpi eq, %select_n3A_80, %eq3A_81 : i32
      %select_n3A_83 = arith.constant 1 : i32
      %select_n3A_84 = arith.select %eq3A_82, %select_n3A_83, %select_n3A_80 : i32
      %add3A_85 = arith.addi %select_n3A_84, %mul3A_6 : i32
      %add3A_86 = arith.constant 1 : i32
      %add3A_87 = arith.addi %select_n3A_75, %add3A_86 : i32
      %select_n3A_88 = arith.constant true
      %select_n3A_89 = arith.select %select_n3A_88, %add3A_87, %select_n3A_75 : i32
      %eq3A_90 = arith.constant 2 : i32
      %eq3A_91 = arith.cmpi eq, %select_n3A_89, %eq3A_90 : i32
      %select_n3A_92 = arith.constant 0 : i32
      %select_n3A_93 = arith.select %eq3A_91, %select_n3A_92, %select_n3A_89 : i32
      %add3A_94 = arith.addi %select_n3A_93, %mul3A_6 : i32
      %add3A_95 = arith.constant 1 : i32
      %add3A_96 = arith.addi %select_n3A_93, %add3A_95 : i32
      %select_n3A_97 = arith.constant true
      %select_n3A_98 = arith.select %select_n3A_97, %add3A_96, %select_n3A_93 : i32
      %eq3A_99 = arith.constant 2 : i32
      %eq3A_100 = arith.cmpi eq, %select_n3A_98, %eq3A_99 : i32
      %select_n3A_101 = arith.constant 0 : i32
      %select_n3A_102 = arith.select %eq3A_100, %select_n3A_101, %select_n3A_98 : i32
      %add3A_103 = arith.addi %select_n3A_102, %mul3A_6 : i32
      "tpu.trace_start"() <{level = 10 : i32, message = "ep_finalize"}> : () -> ()
      %rem3A_104 = arith.constant 2 : i32
      %rem3A_105 = arith.remui %scan3A_67#3, %rem3A_104 : i32
      %mul3A_106 = arith.constant 128 : i32
      %mul3A_107 = arith.muli %mul3A_106, %add3A_76 : i32
      %dma_wait3A = arith.constant 0 : i32
      %dma_wait3A_108 = arith.constant 0 : i32
      %dma_wait3A_109 = tpu.memref_slice %run_scoped3A_8[%rem3A_105, %dma_wait3A, %dma_wait3A_108] : memref<2x128x256xf32, #tpu.memory_space<vmem>> -> memref<1x128x256xf32, #tpu.memory_space<vmem>>
      %dma_wait3A_110 = tpu.memref_squeeze %dma_wait3A_109 : memref<1x128x256xf32, #tpu.memory_space<vmem>> -> memref<128x256xf32, #tpu.memory_space<vmem>>
      %dma_wait3A_111 = arith.constant 0 : i32
      %dma_wait3A_112 = tpu.memref_slice %arg4[%mul3A_107, %dma_wait3A_111] : memref<8192x256xf32, #tpu.memory_space<hbm>> -> memref<128x256xf32, #tpu.memory_space<hbm>>
      %dma_wait3A_113 = tpu.memref_slice %run_scoped3A_9[%rem3A_105] : memref<2x!tpu.dma_semaphore, #tpu.memory_space<semaphore_mem>> -> memref<1x!tpu.dma_semaphore, #tpu.memory_space<semaphore_mem>>
      %dma_wait3A_114 = tpu.memref_squeeze %dma_wait3A_113 : memref<1x!tpu.dma_semaphore, #tpu.memory_space<semaphore_mem>> -> memref<!tpu.dma_semaphore, #tpu.memory_space<semaphore_mem>>
      %dma_wait3A_115 = arith.constant 0 : i32
      %dma_wait3A_116 = tpu.memref_slice %arg4[%mul3A_107, %dma_wait3A_115] : memref<8192x256xf32, #tpu.memory_space<hbm>> -> memref<128x256xf32, #tpu.memory_space<hbm>>
      %dma_wait3A_117 = arith.constant 0 : i32
      %dma_wait3A_118 = arith.constant 0 : i32
      %dma_wait3A_119 = tpu.memref_slice %run_scoped3A_8[%rem3A_105, %dma_wait3A_117, %dma_wait3A_118] : memref<2x128x256xf32, #tpu.memory_space<vmem>> -> memref<1x128x256xf32, #tpu.memory_space<vmem>>
      %dma_wait3A_120 = tpu.memref_squeeze %dma_wait3A_119 : memref<1x128x256xf32, #tpu.memory_space<vmem>> -> memref<128x256xf32, #tpu.memory_space<vmem>>
      tpu.wait_dma2 semaphore(%dma_wait3A_114 : memref<!tpu.dma_semaphore, #tpu.memory_space<semaphore_mem>>) src(%dma_wait3A_120 : memref<128x256xf32, #tpu.memory_space<vmem>>) dst(%dma_wait3A_116 : memref<128x256xf32, #tpu.memory_space<hbm>>)
      "tpu.trace_stop"() : () -> ()
      tpu.yield
    }) : () -> ()
    return
  }
}

module attributes {stable_mosaic.version = 14 : i64} {
  func.func @_vq_tc_body(%arg0: i32, %arg1: memref<1024x256xf32, #tpu.memory_space<vmem>>, %arg2: memref<8192x256xf32, #tpu.memory_space<vmem>>, %arg3: memref<1x1x1024xi32, #tpu.memory_space<vmem>>, %arg4: memref<1x1xf32, #tpu.memory_space<vmem>>) attributes {dimension_semantics = [#tpu.dimension_semantics<arbitrary>], iteration_bounds = array<i64: 8>, scalar_prefetch = 0 : i64, scratch_operands = 0 : i64, tpu.core_type = #tpu.core_type<tc>, window_params = [{transform_indices = @transform_0, window_bounds = array<i64: 1024, 256>}, {pipeline_mode = #tpu.pipeline_mode<synchronous>, transform_indices = @transform_1, window_bounds = array<i64: 8192, 256>}, {transform_indices = @transform_2, window_bounds = array<i64: 1, 1, 1024>}, {pipeline_mode = #tpu.pipeline_mode<synchronous>, transform_indices = @transform_3, window_bounds = array<i64: 1, 1>}]} {
    %get3A = arith.constant 0 : index
    %get3A_0 = arith.constant 0 : index
    %get3A_1 = vector.load %arg1[%get3A, %get3A_0] : memref<1024x256xf32, #tpu.memory_space<vmem>>, vector<1024x256xf32>
    %mul3A = arith.mulf %get3A_1, %get3A_1 : vector<1024x256xf32>
    %slice3A = vector.extract_strided_slice %mul3A {offsets = [0, 0], sizes = [1024, 128], strides = [1, 1]} : vector<1024x256xf32> to vector<1024x128xf32>
    %slice3A_2 = vector.extract_strided_slice %mul3A {offsets = [0, 128], sizes = [1024, 128], strides = [1, 1]} : vector<1024x256xf32> to vector<1024x128xf32>
    %add3A = arith.addf %slice3A, %slice3A_2 : vector<1024x128xf32>
    %reduce_sum3A = arith.constant dense<0.000000e+00> : vector<1024xf32>
    %reduce_sum3A_3 = vector.multi_reduction <add>, %add3A, %reduce_sum3A [1] : vector<1024x128xf32> to vector<1024xf32>
    %convert_element_type3A = arith.truncf %get3A_1 : vector<1024x256xf32> to vector<1024x256xbf16>
    %get3A_4 = arith.constant 0 : index
    %get3A_5 = arith.constant 0 : index
    %get3A_6 = vector.load %arg2[%get3A_4, %get3A_5] : memref<8192x256xf32, #tpu.memory_space<vmem>>, vector<1024x256xf32>
    %mul3A_7 = arith.mulf %get3A_6, %get3A_6 : vector<1024x256xf32>
    %slice3A_8 = vector.extract_strided_slice %mul3A_7 {offsets = [0, 0], sizes = [1024, 128], strides = [1, 1]} : vector<1024x256xf32> to vector<1024x128xf32>
    %slice3A_9 = vector.extract_strided_slice %mul3A_7 {offsets = [0, 128], sizes = [1024, 128], strides = [1, 1]} : vector<1024x256xf32> to vector<1024x128xf32>
    %add3A_10 = arith.addf %slice3A_8, %slice3A_9 : vector<1024x128xf32>
    %reduce_sum3A_11 = arith.constant dense<0.000000e+00> : vector<1024xf32>
    %reduce_sum3A_12 = vector.multi_reduction <add>, %add3A_10, %reduce_sum3A_11 [1] : vector<1024x128xf32> to vector<1024xf32>
    %convert_element_type3A_13 = arith.truncf %get3A_6 : vector<1024x256xf32> to vector<1024x256xbf16>
    %dot_general3A = arith.constant dense<0.000000e+00> : vector<1024x1024xf32>
    %dot_general3A_14 = tpu.matmul %convert_element_type3A_13, %convert_element_type3A, %dot_general3A {dimension_numbers = #tpu.dot_dimension_numbers<[1], [1], [0], [0], [0, 0, 1, 0], [], []>, transpose_lhs_hint = false} : vector<1024x256xbf16>, vector<1024x256xbf16>, vector<1024x1024xf32> -> vector<1024x1024xf32>
    %broadcast_in_dim3A = vector.shape_cast %reduce_sum3A_12 : vector<1024xf32> to vector<1024x1xf32>
    %broadcast_in_dim3A_15 = vector.shape_cast %reduce_sum3A_3 : vector<1024xf32> to vector<1x1024xf32>
    %add3A_16 = vector.broadcast %broadcast_in_dim3A : vector<1024x1xf32> to vector<1024x1024xf32>
    %add3A_17 = vector.broadcast %broadcast_in_dim3A_15 : vector<1x1024xf32> to vector<1024x1024xf32>
    %add3A_18 = arith.addf %add3A_16, %add3A_17 : vector<1024x1024xf32>
    %mul3A_19 = arith.constant 2.000000e+00 : f32
    %mul3A_20 = vector.broadcast %mul3A_19 : f32 to vector<1024x1024xf32>
    %mul3A_21 = arith.mulf %mul3A_20, %dot_general3A_14 : vector<1024x1024xf32>
    %sub3A = arith.subf %add3A_18, %mul3A_21 : vector<1024x1024xf32>
    %iota3A = tpu.iota {dimensions = array<i32: 0>} : vector<1024x1024xi32>
    %add3A_22 = arith.constant 0 : i32
    %add3A_23 = vector.broadcast %add3A_22 : i32 to vector<1024x1024xi32>
    %add3A_24 = arith.addi %iota3A, %add3A_23 : vector<1024x1024xi32>
    %slice3A_25 = vector.extract_strided_slice %sub3A {offsets = [0, 0], sizes = [512, 1024], strides = [1, 1]} : vector<1024x1024xf32> to vector<512x1024xf32>
    %slice3A_26 = vector.extract_strided_slice %sub3A {offsets = [512, 0], sizes = [512, 1024], strides = [1, 1]} : vector<1024x1024xf32> to vector<512x1024xf32>
    %slice3A_27 = vector.extract_strided_slice %add3A_24 {offsets = [0, 0], sizes = [512, 1024], strides = [1, 1]} : vector<1024x1024xi32> to vector<512x1024xi32>
    %slice3A_28 = vector.extract_strided_slice %add3A_24 {offsets = [512, 0], sizes = [512, 1024], strides = [1, 1]} : vector<1024x1024xi32> to vector<512x1024xi32>
    %lt3A = arith.cmpf olt, %slice3A_26, %slice3A_25 : vector<512x1024xf32>
    %eq3A = arith.cmpf oeq, %slice3A_26, %slice3A_25 : vector<512x1024xf32>
    %lt3A_29 = arith.cmpi slt, %slice3A_28, %slice3A_27 : vector<512x1024xi32>
    %and3A = arith.andi %eq3A, %lt3A_29 : vector<512x1024xi1>
    %or3A = arith.ori %lt3A, %and3A : vector<512x1024xi1>
    %select_n3A = arith.select %or3A, %slice3A_26, %slice3A_25 : vector<512x1024xi1>, vector<512x1024xf32>
    %select_n3A_30 = arith.select %or3A, %slice3A_28, %slice3A_27 : vector<512x1024xi1>, vector<512x1024xi32>
    %slice3A_31 = vector.extract_strided_slice %select_n3A {offsets = [0, 0], sizes = [256, 1024], strides = [1, 1]} : vector<512x1024xf32> to vector<256x1024xf32>
    %slice3A_32 = vector.extract_strided_slice %select_n3A {offsets = [256, 0], sizes = [256, 1024], strides = [1, 1]} : vector<512x1024xf32> to vector<256x1024xf32>
    %slice3A_33 = vector.extract_strided_slice %select_n3A_30 {offsets = [0, 0], sizes = [256, 1024], strides = [1, 1]} : vector<512x1024xi32> to vector<256x1024xi32>
    %slice3A_34 = vector.extract_strided_slice %select_n3A_30 {offsets = [256, 0], sizes = [256, 1024], strides = [1, 1]} : vector<512x1024xi32> to vector<256x1024xi32>
    %lt3A_35 = arith.cmpf olt, %slice3A_32, %slice3A_31 : vector<256x1024xf32>
    %eq3A_36 = arith.cmpf oeq, %slice3A_32, %slice3A_31 : vector<256x1024xf32>
    %lt3A_37 = arith.cmpi slt, %slice3A_34, %slice3A_33 : vector<256x1024xi32>
    %and3A_38 = arith.andi %eq3A_36, %lt3A_37 : vector<256x1024xi1>
    %or3A_39 = arith.ori %lt3A_35, %and3A_38 : vector<256x1024xi1>
    %select_n3A_40 = arith.select %or3A_39, %slice3A_32, %slice3A_31 : vector<256x1024xi1>, vector<256x1024xf32>
    %select_n3A_41 = arith.select %or3A_39, %slice3A_34, %slice3A_33 : vector<256x1024xi1>, vector<256x1024xi32>
    %slice3A_42 = vector.extract_strided_slice %select_n3A_40 {offsets = [0, 0], sizes = [128, 1024], strides = [1, 1]} : vector<256x1024xf32> to vector<128x1024xf32>
    %slice3A_43 = vector.extract_strided_slice %select_n3A_40 {offsets = [128, 0], sizes = [128, 1024], strides = [1, 1]} : vector<256x1024xf32> to vector<128x1024xf32>
    %slice3A_44 = vector.extract_strided_slice %select_n3A_41 {offsets = [0, 0], sizes = [128, 1024], strides = [1, 1]} : vector<256x1024xi32> to vector<128x1024xi32>
    %slice3A_45 = vector.extract_strided_slice %select_n3A_41 {offsets = [128, 0], sizes = [128, 1024], strides = [1, 1]} : vector<256x1024xi32> to vector<128x1024xi32>
    %lt3A_46 = arith.cmpf olt, %slice3A_43, %slice3A_42 : vector<128x1024xf32>
    %eq3A_47 = arith.cmpf oeq, %slice3A_43, %slice3A_42 : vector<128x1024xf32>
    %lt3A_48 = arith.cmpi slt, %slice3A_45, %slice3A_44 : vector<128x1024xi32>
    %and3A_49 = arith.andi %eq3A_47, %lt3A_48 : vector<128x1024xi1>
    %or3A_50 = arith.ori %lt3A_46, %and3A_49 : vector<128x1024xi1>
    %select_n3A_51 = arith.select %or3A_50, %slice3A_43, %slice3A_42 : vector<128x1024xi1>, vector<128x1024xf32>
    %select_n3A_52 = arith.select %or3A_50, %slice3A_45, %slice3A_44 : vector<128x1024xi1>, vector<128x1024xi32>
    %slice3A_53 = vector.extract_strided_slice %select_n3A_51 {offsets = [0, 0], sizes = [64, 1024], strides = [1, 1]} : vector<128x1024xf32> to vector<64x1024xf32>
    %slice3A_54 = vector.extract_strided_slice %select_n3A_51 {offsets = [64, 0], sizes = [64, 1024], strides = [1, 1]} : vector<128x1024xf32> to vector<64x1024xf32>
    %slice3A_55 = vector.extract_strided_slice %select_n3A_52 {offsets = [0, 0], sizes = [64, 1024], strides = [1, 1]} : vector<128x1024xi32> to vector<64x1024xi32>
    %slice3A_56 = vector.extract_strided_slice %select_n3A_52 {offsets = [64, 0], sizes = [64, 1024], strides = [1, 1]} : vector<128x1024xi32> to vector<64x1024xi32>
    %lt3A_57 = arith.cmpf olt, %slice3A_54, %slice3A_53 : vector<64x1024xf32>
    %eq3A_58 = arith.cmpf oeq, %slice3A_54, %slice3A_53 : vector<64x1024xf32>
    %lt3A_59 = arith.cmpi slt, %slice3A_56, %slice3A_55 : vector<64x1024xi32>
    %and3A_60 = arith.andi %eq3A_58, %lt3A_59 : vector<64x1024xi1>
    %or3A_61 = arith.ori %lt3A_57, %and3A_60 : vector<64x1024xi1>
    %select_n3A_62 = arith.select %or3A_61, %slice3A_54, %slice3A_53 : vector<64x1024xi1>, vector<64x1024xf32>
    %select_n3A_63 = arith.select %or3A_61, %slice3A_56, %slice3A_55 : vector<64x1024xi1>, vector<64x1024xi32>
    %slice3A_64 = vector.extract_strided_slice %select_n3A_62 {offsets = [0, 0], sizes = [32, 1024], strides = [1, 1]} : vector<64x1024xf32> to vector<32x1024xf32>
    %slice3A_65 = vector.extract_strided_slice %select_n3A_62 {offsets = [32, 0], sizes = [32, 1024], strides = [1, 1]} : vector<64x1024xf32> to vector<32x1024xf32>
    %slice3A_66 = vector.extract_strided_slice %select_n3A_63 {offsets = [0, 0], sizes = [32, 1024], strides = [1, 1]} : vector<64x1024xi32> to vector<32x1024xi32>
    %slice3A_67 = vector.extract_strided_slice %select_n3A_63 {offsets = [32, 0], sizes = [32, 1024], strides = [1, 1]} : vector<64x1024xi32> to vector<32x1024xi32>
    %lt3A_68 = arith.cmpf olt, %slice3A_65, %slice3A_64 : vector<32x1024xf32>
    %eq3A_69 = arith.cmpf oeq, %slice3A_65, %slice3A_64 : vector<32x1024xf32>
    %lt3A_70 = arith.cmpi slt, %slice3A_67, %slice3A_66 : vector<32x1024xi32>
    %and3A_71 = arith.andi %eq3A_69, %lt3A_70 : vector<32x1024xi1>
    %or3A_72 = arith.ori %lt3A_68, %and3A_71 : vector<32x1024xi1>
    %select_n3A_73 = arith.select %or3A_72, %slice3A_65, %slice3A_64 : vector<32x1024xi1>, vector<32x1024xf32>
    %select_n3A_74 = arith.select %or3A_72, %slice3A_67, %slice3A_66 : vector<32x1024xi1>, vector<32x1024xi32>
    %slice3A_75 = vector.extract_strided_slice %select_n3A_73 {offsets = [0, 0], sizes = [16, 1024], strides = [1, 1]} : vector<32x1024xf32> to vector<16x1024xf32>
    %slice3A_76 = vector.extract_strided_slice %select_n3A_73 {offsets = [16, 0], sizes = [16, 1024], strides = [1, 1]} : vector<32x1024xf32> to vector<16x1024xf32>
    %slice3A_77 = vector.extract_strided_slice %select_n3A_74 {offsets = [0, 0], sizes = [16, 1024], strides = [1, 1]} : vector<32x1024xi32> to vector<16x1024xi32>
    %slice3A_78 = vector.extract_strided_slice %select_n3A_74 {offsets = [16, 0], sizes = [16, 1024], strides = [1, 1]} : vector<32x1024xi32> to vector<16x1024xi32>
    %lt3A_79 = arith.cmpf olt, %slice3A_76, %slice3A_75 : vector<16x1024xf32>
    %eq3A_80 = arith.cmpf oeq, %slice3A_76, %slice3A_75 : vector<16x1024xf32>
    %lt3A_81 = arith.cmpi slt, %slice3A_78, %slice3A_77 : vector<16x1024xi32>
    %and3A_82 = arith.andi %eq3A_80, %lt3A_81 : vector<16x1024xi1>
    %or3A_83 = arith.ori %lt3A_79, %and3A_82 : vector<16x1024xi1>
    %select_n3A_84 = arith.select %or3A_83, %slice3A_76, %slice3A_75 : vector<16x1024xi1>, vector<16x1024xf32>
    %select_n3A_85 = arith.select %or3A_83, %slice3A_78, %slice3A_77 : vector<16x1024xi1>, vector<16x1024xi32>
    %slice3A_86 = vector.extract_strided_slice %select_n3A_84 {offsets = [0, 0], sizes = [8, 1024], strides = [1, 1]} : vector<16x1024xf32> to vector<8x1024xf32>
    %slice3A_87 = vector.extract_strided_slice %select_n3A_84 {offsets = [8, 0], sizes = [8, 1024], strides = [1, 1]} : vector<16x1024xf32> to vector<8x1024xf32>
    %slice3A_88 = vector.extract_strided_slice %select_n3A_85 {offsets = [0, 0], sizes = [8, 1024], strides = [1, 1]} : vector<16x1024xi32> to vector<8x1024xi32>
    %slice3A_89 = vector.extract_strided_slice %select_n3A_85 {offsets = [8, 0], sizes = [8, 1024], strides = [1, 1]} : vector<16x1024xi32> to vector<8x1024xi32>
    %lt3A_90 = arith.cmpf olt, %slice3A_87, %slice3A_86 : vector<8x1024xf32>
    %eq3A_91 = arith.cmpf oeq, %slice3A_87, %slice3A_86 : vector<8x1024xf32>
    %lt3A_92 = arith.cmpi slt, %slice3A_89, %slice3A_88 : vector<8x1024xi32>
    %and3A_93 = arith.andi %eq3A_91, %lt3A_92 : vector<8x1024xi1>
    %or3A_94 = arith.ori %lt3A_90, %and3A_93 : vector<8x1024xi1>
    %select_n3A_95 = arith.select %or3A_94, %slice3A_87, %slice3A_86 : vector<8x1024xi1>, vector<8x1024xf32>
    %select_n3A_96 = arith.select %or3A_94, %slice3A_89, %slice3A_88 : vector<8x1024xi1>, vector<8x1024xi32>
    %slice3A_97 = vector.extract_strided_slice %select_n3A_95 {offsets = [0, 0], sizes = [4, 1024], strides = [1, 1]} : vector<8x1024xf32> to vector<4x1024xf32>
    %slice3A_98 = vector.extract_strided_slice %select_n3A_95 {offsets = [4, 0], sizes = [4, 1024], strides = [1, 1]} : vector<8x1024xf32> to vector<4x1024xf32>
    %slice3A_99 = vector.extract_strided_slice %select_n3A_96 {offsets = [0, 0], sizes = [4, 1024], strides = [1, 1]} : vector<8x1024xi32> to vector<4x1024xi32>
    %slice3A_100 = vector.extract_strided_slice %select_n3A_96 {offsets = [4, 0], sizes = [4, 1024], strides = [1, 1]} : vector<8x1024xi32> to vector<4x1024xi32>
    %lt3A_101 = arith.cmpf olt, %slice3A_98, %slice3A_97 : vector<4x1024xf32>
    %eq3A_102 = arith.cmpf oeq, %slice3A_98, %slice3A_97 : vector<4x1024xf32>
    %lt3A_103 = arith.cmpi slt, %slice3A_100, %slice3A_99 : vector<4x1024xi32>
    %and3A_104 = arith.andi %eq3A_102, %lt3A_103 : vector<4x1024xi1>
    %or3A_105 = arith.ori %lt3A_101, %and3A_104 : vector<4x1024xi1>
    %select_n3A_106 = arith.select %or3A_105, %slice3A_98, %slice3A_97 : vector<4x1024xi1>, vector<4x1024xf32>
    %select_n3A_107 = arith.select %or3A_105, %slice3A_100, %slice3A_99 : vector<4x1024xi1>, vector<4x1024xi32>
    %slice3A_108 = vector.extract_strided_slice %select_n3A_106 {offsets = [0, 0], sizes = [2, 1024], strides = [1, 1]} : vector<4x1024xf32> to vector<2x1024xf32>
    %slice3A_109 = vector.extract_strided_slice %select_n3A_106 {offsets = [2, 0], sizes = [2, 1024], strides = [1, 1]} : vector<4x1024xf32> to vector<2x1024xf32>
    %slice3A_110 = vector.extract_strided_slice %select_n3A_107 {offsets = [0, 0], sizes = [2, 1024], strides = [1, 1]} : vector<4x1024xi32> to vector<2x1024xi32>
    %slice3A_111 = vector.extract_strided_slice %select_n3A_107 {offsets = [2, 0], sizes = [2, 1024], strides = [1, 1]} : vector<4x1024xi32> to vector<2x1024xi32>
    %lt3A_112 = arith.cmpf olt, %slice3A_109, %slice3A_108 : vector<2x1024xf32>
    %eq3A_113 = arith.cmpf oeq, %slice3A_109, %slice3A_108 : vector<2x1024xf32>
    %lt3A_114 = arith.cmpi slt, %slice3A_111, %slice3A_110 : vector<2x1024xi32>
    %and3A_115 = arith.andi %eq3A_113, %lt3A_114 : vector<2x1024xi1>
    %or3A_116 = arith.ori %lt3A_112, %and3A_115 : vector<2x1024xi1>
    %select_n3A_117 = arith.select %or3A_116, %slice3A_109, %slice3A_108 : vector<2x1024xi1>, vector<2x1024xf32>
    %select_n3A_118 = arith.select %or3A_116, %slice3A_111, %slice3A_110 : vector<2x1024xi1>, vector<2x1024xi32>
    %slice3A_119 = vector.extract_strided_slice %select_n3A_117 {offsets = [0, 0], sizes = [1, 1024], strides = [1, 1]} : vector<2x1024xf32> to vector<1x1024xf32>
    %slice3A_120 = vector.extract_strided_slice %select_n3A_117 {offsets = [1, 0], sizes = [1, 1024], strides = [1, 1]} : vector<2x1024xf32> to vector<1x1024xf32>
    %slice3A_121 = vector.extract_strided_slice %select_n3A_118 {offsets = [0, 0], sizes = [1, 1024], strides = [1, 1]} : vector<2x1024xi32> to vector<1x1024xi32>
    %slice3A_122 = vector.extract_strided_slice %select_n3A_118 {offsets = [1, 0], sizes = [1, 1024], strides = [1, 1]} : vector<2x1024xi32> to vector<1x1024xi32>
    %lt3A_123 = arith.cmpf olt, %slice3A_120, %slice3A_119 : vector<1x1024xf32>
    %eq3A_124 = arith.cmpf oeq, %slice3A_120, %slice3A_119 : vector<1x1024xf32>
    %lt3A_125 = arith.cmpi slt, %slice3A_122, %slice3A_121 : vector<1x1024xi32>
    %and3A_126 = arith.andi %eq3A_124, %lt3A_125 : vector<1x1024xi1>
    %or3A_127 = arith.ori %lt3A_123, %and3A_126 : vector<1x1024xi1>
    %select_n3A_128 = arith.select %or3A_127, %slice3A_120, %slice3A_119 : vector<1x1024xi1>, vector<1x1024xf32>
    %select_n3A_129 = arith.select %or3A_127, %slice3A_122, %slice3A_121 : vector<1x1024xi1>, vector<1x1024xi32>
    %squeeze3A = vector.shape_cast %select_n3A_128 : vector<1x1024xf32> to vector<1024xf32>
    %squeeze3A_130 = vector.shape_cast %select_n3A_129 : vector<1x1024xi32> to vector<1024xi32>
    %get3A_131 = arith.constant 1024 : index
    %get3A_132 = arith.constant 0 : index
    %get3A_133 = vector.load %arg2[%get3A_131, %get3A_132] : memref<8192x256xf32, #tpu.memory_space<vmem>>, vector<1024x256xf32>
    %mul3A_134 = arith.mulf %get3A_133, %get3A_133 : vector<1024x256xf32>
    %slice3A_135 = vector.extract_strided_slice %mul3A_134 {offsets = [0, 0], sizes = [1024, 128], strides = [1, 1]} : vector<1024x256xf32> to vector<1024x128xf32>
    %slice3A_136 = vector.extract_strided_slice %mul3A_134 {offsets = [0, 128], sizes = [1024, 128], strides = [1, 1]} : vector<1024x256xf32> to vector<1024x128xf32>
    %add3A_137 = arith.addf %slice3A_135, %slice3A_136 : vector<1024x128xf32>
    %reduce_sum3A_138 = arith.constant dense<0.000000e+00> : vector<1024xf32>
    %reduce_sum3A_139 = vector.multi_reduction <add>, %add3A_137, %reduce_sum3A_138 [1] : vector<1024x128xf32> to vector<1024xf32>
    %convert_element_type3A_140 = arith.truncf %get3A_133 : vector<1024x256xf32> to vector<1024x256xbf16>
    %dot_general3A_141 = arith.constant dense<0.000000e+00> : vector<1024x1024xf32>
    %dot_general3A_142 = tpu.matmul %convert_element_type3A_140, %convert_element_type3A, %dot_general3A_141 {dimension_numbers = #tpu.dot_dimension_numbers<[1], [1], [0], [0], [0, 0, 1, 0], [], []>, transpose_lhs_hint = false} : vector<1024x256xbf16>, vector<1024x256xbf16>, vector<1024x1024xf32> -> vector<1024x1024xf32>
    %broadcast_in_dim3A_143 = vector.shape_cast %reduce_sum3A_139 : vector<1024xf32> to vector<1024x1xf32>
    %broadcast_in_dim3A_144 = vector.shape_cast %reduce_sum3A_3 : vector<1024xf32> to vector<1x1024xf32>
    %add3A_145 = vector.broadcast %broadcast_in_dim3A_143 : vector<1024x1xf32> to vector<1024x1024xf32>
    %add3A_146 = vector.broadcast %broadcast_in_dim3A_144 : vector<1x1024xf32> to vector<1024x1024xf32>
    %add3A_147 = arith.addf %add3A_145, %add3A_146 : vector<1024x1024xf32>
    %mul3A_148 = arith.constant 2.000000e+00 : f32
    %mul3A_149 = vector.broadcast %mul3A_148 : f32 to vector<1024x1024xf32>
    %mul3A_150 = arith.mulf %mul3A_149, %dot_general3A_142 : vector<1024x1024xf32>
    %sub3A_151 = arith.subf %add3A_147, %mul3A_150 : vector<1024x1024xf32>
    %iota3A_152 = tpu.iota {dimensions = array<i32: 0>} : vector<1024x1024xi32>
    %add3A_153 = arith.constant 1024 : i32
    %add3A_154 = vector.broadcast %add3A_153 : i32 to vector<1024x1024xi32>
    %add3A_155 = arith.addi %iota3A_152, %add3A_154 : vector<1024x1024xi32>
    %slice3A_156 = vector.extract_strided_slice %sub3A_151 {offsets = [0, 0], sizes = [512, 1024], strides = [1, 1]} : vector<1024x1024xf32> to vector<512x1024xf32>
    %slice3A_157 = vector.extract_strided_slice %sub3A_151 {offsets = [512, 0], sizes = [512, 1024], strides = [1, 1]} : vector<1024x1024xf32> to vector<512x1024xf32>
    %slice3A_158 = vector.extract_strided_slice %add3A_155 {offsets = [0, 0], sizes = [512, 1024], strides = [1, 1]} : vector<1024x1024xi32> to vector<512x1024xi32>
    %slice3A_159 = vector.extract_strided_slice %add3A_155 {offsets = [512, 0], sizes = [512, 1024], strides = [1, 1]} : vector<1024x1024xi32> to vector<512x1024xi32>
    %lt3A_160 = arith.cmpf olt, %slice3A_157, %slice3A_156 : vector<512x1024xf32>
    %eq3A_161 = arith.cmpf oeq, %slice3A_157, %slice3A_156 : vector<512x1024xf32>
    %lt3A_162 = arith.cmpi slt, %slice3A_159, %slice3A_158 : vector<512x1024xi32>
    %and3A_163 = arith.andi %eq3A_161, %lt3A_162 : vector<512x1024xi1>
    %or3A_164 = arith.ori %lt3A_160, %and3A_163 : vector<512x1024xi1>
    %select_n3A_165 = arith.select %or3A_164, %slice3A_157, %slice3A_156 : vector<512x1024xi1>, vector<512x1024xf32>
    %select_n3A_166 = arith.select %or3A_164, %slice3A_159, %slice3A_158 : vector<512x1024xi1>, vector<512x1024xi32>
    %slice3A_167 = vector.extract_strided_slice %select_n3A_165 {offsets = [0, 0], sizes = [256, 1024], strides = [1, 1]} : vector<512x1024xf32> to vector<256x1024xf32>
    %slice3A_168 = vector.extract_strided_slice %select_n3A_165 {offsets = [256, 0], sizes = [256, 1024], strides = [1, 1]} : vector<512x1024xf32> to vector<256x1024xf32>
    %slice3A_169 = vector.extract_strided_slice %select_n3A_166 {offsets = [0, 0], sizes = [256, 1024], strides = [1, 1]} : vector<512x1024xi32> to vector<256x1024xi32>
    %slice3A_170 = vector.extract_strided_slice %select_n3A_166 {offsets = [256, 0], sizes = [256, 1024], strides = [1, 1]} : vector<512x1024xi32> to vector<256x1024xi32>
    %lt3A_171 = arith.cmpf olt, %slice3A_168, %slice3A_167 : vector<256x1024xf32>
    %eq3A_172 = arith.cmpf oeq, %slice3A_168, %slice3A_167 : vector<256x1024xf32>
    %lt3A_173 = arith.cmpi slt, %slice3A_170, %slice3A_169 : vector<256x1024xi32>
    %and3A_174 = arith.andi %eq3A_172, %lt3A_173 : vector<256x1024xi1>
    %or3A_175 = arith.ori %lt3A_171, %and3A_174 : vector<256x1024xi1>
    %select_n3A_176 = arith.select %or3A_175, %slice3A_168, %slice3A_167 : vector<256x1024xi1>, vector<256x1024xf32>
    %select_n3A_177 = arith.select %or3A_175, %slice3A_170, %slice3A_169 : vector<256x1024xi1>, vector<256x1024xi32>
    %slice3A_178 = vector.extract_strided_slice %select_n3A_176 {offsets = [0, 0], sizes = [128, 1024], strides = [1, 1]} : vector<256x1024xf32> to vector<128x1024xf32>
    %slice3A_179 = vector.extract_strided_slice %select_n3A_176 {offsets = [128, 0], sizes = [128, 1024], strides = [1, 1]} : vector<256x1024xf32> to vector<128x1024xf32>
    %slice3A_180 = vector.extract_strided_slice %select_n3A_177 {offsets = [0, 0], sizes = [128, 1024], strides = [1, 1]} : vector<256x1024xi32> to vector<128x1024xi32>
    %slice3A_181 = vector.extract_strided_slice %select_n3A_177 {offsets = [128, 0], sizes = [128, 1024], strides = [1, 1]} : vector<256x1024xi32> to vector<128x1024xi32>
    %lt3A_182 = arith.cmpf olt, %slice3A_179, %slice3A_178 : vector<128x1024xf32>
    %eq3A_183 = arith.cmpf oeq, %slice3A_179, %slice3A_178 : vector<128x1024xf32>
    %lt3A_184 = arith.cmpi slt, %slice3A_181, %slice3A_180 : vector<128x1024xi32>
    %and3A_185 = arith.andi %eq3A_183, %lt3A_184 : vector<128x1024xi1>
    %or3A_186 = arith.ori %lt3A_182, %and3A_185 : vector<128x1024xi1>
    %select_n3A_187 = arith.select %or3A_186, %slice3A_179, %slice3A_178 : vector<128x1024xi1>, vector<128x1024xf32>
    %select_n3A_188 = arith.select %or3A_186, %slice3A_181, %slice3A_180 : vector<128x1024xi1>, vector<128x1024xi32>
    %slice3A_189 = vector.extract_strided_slice %select_n3A_187 {offsets = [0, 0], sizes = [64, 1024], strides = [1, 1]} : vector<128x1024xf32> to vector<64x1024xf32>
    %slice3A_190 = vector.extract_strided_slice %select_n3A_187 {offsets = [64, 0], sizes = [64, 1024], strides = [1, 1]} : vector<128x1024xf32> to vector<64x1024xf32>
    %slice3A_191 = vector.extract_strided_slice %select_n3A_188 {offsets = [0, 0], sizes = [64, 1024], strides = [1, 1]} : vector<128x1024xi32> to vector<64x1024xi32>
    %slice3A_192 = vector.extract_strided_slice %select_n3A_188 {offsets = [64, 0], sizes = [64, 1024], strides = [1, 1]} : vector<128x1024xi32> to vector<64x1024xi32>
    %lt3A_193 = arith.cmpf olt, %slice3A_190, %slice3A_189 : vector<64x1024xf32>
    %eq3A_194 = arith.cmpf oeq, %slice3A_190, %slice3A_189 : vector<64x1024xf32>
    %lt3A_195 = arith.cmpi slt, %slice3A_192, %slice3A_191 : vector<64x1024xi32>
    %and3A_196 = arith.andi %eq3A_194, %lt3A_195 : vector<64x1024xi1>
    %or3A_197 = arith.ori %lt3A_193, %and3A_196 : vector<64x1024xi1>
    %select_n3A_198 = arith.select %or3A_197, %slice3A_190, %slice3A_189 : vector<64x1024xi1>, vector<64x1024xf32>
    %select_n3A_199 = arith.select %or3A_197, %slice3A_192, %slice3A_191 : vector<64x1024xi1>, vector<64x1024xi32>
    %slice3A_200 = vector.extract_strided_slice %select_n3A_198 {offsets = [0, 0], sizes = [32, 1024], strides = [1, 1]} : vector<64x1024xf32> to vector<32x1024xf32>
    %slice3A_201 = vector.extract_strided_slice %select_n3A_198 {offsets = [32, 0], sizes = [32, 1024], strides = [1, 1]} : vector<64x1024xf32> to vector<32x1024xf32>
    %slice3A_202 = vector.extract_strided_slice %select_n3A_199 {offsets = [0, 0], sizes = [32, 1024], strides = [1, 1]} : vector<64x1024xi32> to vector<32x1024xi32>
    %slice3A_203 = vector.extract_strided_slice %select_n3A_199 {offsets = [32, 0], sizes = [32, 1024], strides = [1, 1]} : vector<64x1024xi32> to vector<32x1024xi32>
    %lt3A_204 = arith.cmpf olt, %slice3A_201, %slice3A_200 : vector<32x1024xf32>
    %eq3A_205 = arith.cmpf oeq, %slice3A_201, %slice3A_200 : vector<32x1024xf32>
    %lt3A_206 = arith.cmpi slt, %slice3A_203, %slice3A_202 : vector<32x1024xi32>
    %and3A_207 = arith.andi %eq3A_205, %lt3A_206 : vector<32x1024xi1>
    %or3A_208 = arith.ori %lt3A_204, %and3A_207 : vector<32x1024xi1>
    %select_n3A_209 = arith.select %or3A_208, %slice3A_201, %slice3A_200 : vector<32x1024xi1>, vector<32x1024xf32>
    %select_n3A_210 = arith.select %or3A_208, %slice3A_203, %slice3A_202 : vector<32x1024xi1>, vector<32x1024xi32>
    %slice3A_211 = vector.extract_strided_slice %select_n3A_209 {offsets = [0, 0], sizes = [16, 1024], strides = [1, 1]} : vector<32x1024xf32> to vector<16x1024xf32>
    %slice3A_212 = vector.extract_strided_slice %select_n3A_209 {offsets = [16, 0], sizes = [16, 1024], strides = [1, 1]} : vector<32x1024xf32> to vector<16x1024xf32>
    %slice3A_213 = vector.extract_strided_slice %select_n3A_210 {offsets = [0, 0], sizes = [16, 1024], strides = [1, 1]} : vector<32x1024xi32> to vector<16x1024xi32>
    %slice3A_214 = vector.extract_strided_slice %select_n3A_210 {offsets = [16, 0], sizes = [16, 1024], strides = [1, 1]} : vector<32x1024xi32> to vector<16x1024xi32>
    %lt3A_215 = arith.cmpf olt, %slice3A_212, %slice3A_211 : vector<16x1024xf32>
    %eq3A_216 = arith.cmpf oeq, %slice3A_212, %slice3A_211 : vector<16x1024xf32>
    %lt3A_217 = arith.cmpi slt, %slice3A_214, %slice3A_213 : vector<16x1024xi32>
    %and3A_218 = arith.andi %eq3A_216, %lt3A_217 : vector<16x1024xi1>
    %or3A_219 = arith.ori %lt3A_215, %and3A_218 : vector<16x1024xi1>
    %select_n3A_220 = arith.select %or3A_219, %slice3A_212, %slice3A_211 : vector<16x1024xi1>, vector<16x1024xf32>
    %select_n3A_221 = arith.select %or3A_219, %slice3A_214, %slice3A_213 : vector<16x1024xi1>, vector<16x1024xi32>
    %slice3A_222 = vector.extract_strided_slice %select_n3A_220 {offsets = [0, 0], sizes = [8, 1024], strides = [1, 1]} : vector<16x1024xf32> to vector<8x1024xf32>
    %slice3A_223 = vector.extract_strided_slice %select_n3A_220 {offsets = [8, 0], sizes = [8, 1024], strides = [1, 1]} : vector<16x1024xf32> to vector<8x1024xf32>
    %slice3A_224 = vector.extract_strided_slice %select_n3A_221 {offsets = [0, 0], sizes = [8, 1024], strides = [1, 1]} : vector<16x1024xi32> to vector<8x1024xi32>
    %slice3A_225 = vector.extract_strided_slice %select_n3A_221 {offsets = [8, 0], sizes = [8, 1024], strides = [1, 1]} : vector<16x1024xi32> to vector<8x1024xi32>
    %lt3A_226 = arith.cmpf olt, %slice3A_223, %slice3A_222 : vector<8x1024xf32>
    %eq3A_227 = arith.cmpf oeq, %slice3A_223, %slice3A_222 : vector<8x1024xf32>
    %lt3A_228 = arith.cmpi slt, %slice3A_225, %slice3A_224 : vector<8x1024xi32>
    %and3A_229 = arith.andi %eq3A_227, %lt3A_228 : vector<8x1024xi1>
    %or3A_230 = arith.ori %lt3A_226, %and3A_229 : vector<8x1024xi1>
    %select_n3A_231 = arith.select %or3A_230, %slice3A_223, %slice3A_222 : vector<8x1024xi1>, vector<8x1024xf32>
    %select_n3A_232 = arith.select %or3A_230, %slice3A_225, %slice3A_224 : vector<8x1024xi1>, vector<8x1024xi32>
    %slice3A_233 = vector.extract_strided_slice %select_n3A_231 {offsets = [0, 0], sizes = [4, 1024], strides = [1, 1]} : vector<8x1024xf32> to vector<4x1024xf32>
    %slice3A_234 = vector.extract_strided_slice %select_n3A_231 {offsets = [4, 0], sizes = [4, 1024], strides = [1, 1]} : vector<8x1024xf32> to vector<4x1024xf32>
    %slice3A_235 = vector.extract_strided_slice %select_n3A_232 {offsets = [0, 0], sizes = [4, 1024], strides = [1, 1]} : vector<8x1024xi32> to vector<4x1024xi32>
    %slice3A_236 = vector.extract_strided_slice %select_n3A_232 {offsets = [4, 0], sizes = [4, 1024], strides = [1, 1]} : vector<8x1024xi32> to vector<4x1024xi32>
    %lt3A_237 = arith.cmpf olt, %slice3A_234, %slice3A_233 : vector<4x1024xf32>
    %eq3A_238 = arith.cmpf oeq, %slice3A_234, %slice3A_233 : vector<4x1024xf32>
    %lt3A_239 = arith.cmpi slt, %slice3A_236, %slice3A_235 : vector<4x1024xi32>
    %and3A_240 = arith.andi %eq3A_238, %lt3A_239 : vector<4x1024xi1>
    %or3A_241 = arith.ori %lt3A_237, %and3A_240 : vector<4x1024xi1>
    %select_n3A_242 = arith.select %or3A_241, %slice3A_234, %slice3A_233 : vector<4x1024xi1>, vector<4x1024xf32>
    %select_n3A_243 = arith.select %or3A_241, %slice3A_236, %slice3A_235 : vector<4x1024xi1>, vector<4x1024xi32>
    %slice3A_244 = vector.extract_strided_slice %select_n3A_242 {offsets = [0, 0], sizes = [2, 1024], strides = [1, 1]} : vector<4x1024xf32> to vector<2x1024xf32>
    %slice3A_245 = vector.extract_strided_slice %select_n3A_242 {offsets = [2, 0], sizes = [2, 1024], strides = [1, 1]} : vector<4x1024xf32> to vector<2x1024xf32>
    %slice3A_246 = vector.extract_strided_slice %select_n3A_243 {offsets = [0, 0], sizes = [2, 1024], strides = [1, 1]} : vector<4x1024xi32> to vector<2x1024xi32>
    %slice3A_247 = vector.extract_strided_slice %select_n3A_243 {offsets = [2, 0], sizes = [2, 1024], strides = [1, 1]} : vector<4x1024xi32> to vector<2x1024xi32>
    %lt3A_248 = arith.cmpf olt, %slice3A_245, %slice3A_244 : vector<2x1024xf32>
    %eq3A_249 = arith.cmpf oeq, %slice3A_245, %slice3A_244 : vector<2x1024xf32>
    %lt3A_250 = arith.cmpi slt, %slice3A_247, %slice3A_246 : vector<2x1024xi32>
    %and3A_251 = arith.andi %eq3A_249, %lt3A_250 : vector<2x1024xi1>
    %or3A_252 = arith.ori %lt3A_248, %and3A_251 : vector<2x1024xi1>
    %select_n3A_253 = arith.select %or3A_252, %slice3A_245, %slice3A_244 : vector<2x1024xi1>, vector<2x1024xf32>
    %select_n3A_254 = arith.select %or3A_252, %slice3A_247, %slice3A_246 : vector<2x1024xi1>, vector<2x1024xi32>
    %slice3A_255 = vector.extract_strided_slice %select_n3A_253 {offsets = [0, 0], sizes = [1, 1024], strides = [1, 1]} : vector<2x1024xf32> to vector<1x1024xf32>
    %slice3A_256 = vector.extract_strided_slice %select_n3A_253 {offsets = [1, 0], sizes = [1, 1024], strides = [1, 1]} : vector<2x1024xf32> to vector<1x1024xf32>
    %slice3A_257 = vector.extract_strided_slice %select_n3A_254 {offsets = [0, 0], sizes = [1, 1024], strides = [1, 1]} : vector<2x1024xi32> to vector<1x1024xi32>
    %slice3A_258 = vector.extract_strided_slice %select_n3A_254 {offsets = [1, 0], sizes = [1, 1024], strides = [1, 1]} : vector<2x1024xi32> to vector<1x1024xi32>
    %lt3A_259 = arith.cmpf olt, %slice3A_256, %slice3A_255 : vector<1x1024xf32>
    %eq3A_260 = arith.cmpf oeq, %slice3A_256, %slice3A_255 : vector<1x1024xf32>
    %lt3A_261 = arith.cmpi slt, %slice3A_258, %slice3A_257 : vector<1x1024xi32>
    %and3A_262 = arith.andi %eq3A_260, %lt3A_261 : vector<1x1024xi1>
    %or3A_263 = arith.ori %lt3A_259, %and3A_262 : vector<1x1024xi1>
    %select_n3A_264 = arith.select %or3A_263, %slice3A_256, %slice3A_255 : vector<1x1024xi1>, vector<1x1024xf32>
    %select_n3A_265 = arith.select %or3A_263, %slice3A_258, %slice3A_257 : vector<1x1024xi1>, vector<1x1024xi32>
    %squeeze3A_266 = vector.shape_cast %select_n3A_264 : vector<1x1024xf32> to vector<1024xf32>
    %squeeze3A_267 = vector.shape_cast %select_n3A_265 : vector<1x1024xi32> to vector<1024xi32>
    %lt3A_268 = arith.cmpf olt, %squeeze3A_266, %squeeze3A : vector<1024xf32>
    %select_n3A_269 = arith.select %lt3A_268, %squeeze3A_267, %squeeze3A_130 : vector<1024xi1>, vector<1024xi32>
    %select_n3A_270 = arith.select %lt3A_268, %squeeze3A_266, %squeeze3A : vector<1024xi1>, vector<1024xf32>
    %get3A_271 = arith.constant 2048 : index
    %get3A_272 = arith.constant 0 : index
    %get3A_273 = vector.load %arg2[%get3A_271, %get3A_272] : memref<8192x256xf32, #tpu.memory_space<vmem>>, vector<1024x256xf32>
    %mul3A_274 = arith.mulf %get3A_273, %get3A_273 : vector<1024x256xf32>
    %slice3A_275 = vector.extract_strided_slice %mul3A_274 {offsets = [0, 0], sizes = [1024, 128], strides = [1, 1]} : vector<1024x256xf32> to vector<1024x128xf32>
    %slice3A_276 = vector.extract_strided_slice %mul3A_274 {offsets = [0, 128], sizes = [1024, 128], strides = [1, 1]} : vector<1024x256xf32> to vector<1024x128xf32>
    %add3A_277 = arith.addf %slice3A_275, %slice3A_276 : vector<1024x128xf32>
    %reduce_sum3A_278 = arith.constant dense<0.000000e+00> : vector<1024xf32>
    %reduce_sum3A_279 = vector.multi_reduction <add>, %add3A_277, %reduce_sum3A_278 [1] : vector<1024x128xf32> to vector<1024xf32>
    %convert_element_type3A_280 = arith.truncf %get3A_273 : vector<1024x256xf32> to vector<1024x256xbf16>
    %dot_general3A_281 = arith.constant dense<0.000000e+00> : vector<1024x1024xf32>
    %dot_general3A_282 = tpu.matmul %convert_element_type3A_280, %convert_element_type3A, %dot_general3A_281 {dimension_numbers = #tpu.dot_dimension_numbers<[1], [1], [0], [0], [0, 0, 1, 0], [], []>, transpose_lhs_hint = false} : vector<1024x256xbf16>, vector<1024x256xbf16>, vector<1024x1024xf32> -> vector<1024x1024xf32>
    %broadcast_in_dim3A_283 = vector.shape_cast %reduce_sum3A_279 : vector<1024xf32> to vector<1024x1xf32>
    %broadcast_in_dim3A_284 = vector.shape_cast %reduce_sum3A_3 : vector<1024xf32> to vector<1x1024xf32>
    %add3A_285 = vector.broadcast %broadcast_in_dim3A_283 : vector<1024x1xf32> to vector<1024x1024xf32>
    %add3A_286 = vector.broadcast %broadcast_in_dim3A_284 : vector<1x1024xf32> to vector<1024x1024xf32>
    %add3A_287 = arith.addf %add3A_285, %add3A_286 : vector<1024x1024xf32>
    %mul3A_288 = arith.constant 2.000000e+00 : f32
    %mul3A_289 = vector.broadcast %mul3A_288 : f32 to vector<1024x1024xf32>
    %mul3A_290 = arith.mulf %mul3A_289, %dot_general3A_282 : vector<1024x1024xf32>
    %sub3A_291 = arith.subf %add3A_287, %mul3A_290 : vector<1024x1024xf32>
    %iota3A_292 = tpu.iota {dimensions = array<i32: 0>} : vector<1024x1024xi32>
    %add3A_293 = arith.constant 2048 : i32
    %add3A_294 = vector.broadcast %add3A_293 : i32 to vector<1024x1024xi32>
    %add3A_295 = arith.addi %iota3A_292, %add3A_294 : vector<1024x1024xi32>
    %slice3A_296 = vector.extract_strided_slice %sub3A_291 {offsets = [0, 0], sizes = [512, 1024], strides = [1, 1]} : vector<1024x1024xf32> to vector<512x1024xf32>
    %slice3A_297 = vector.extract_strided_slice %sub3A_291 {offsets = [512, 0], sizes = [512, 1024], strides = [1, 1]} : vector<1024x1024xf32> to vector<512x1024xf32>
    %slice3A_298 = vector.extract_strided_slice %add3A_295 {offsets = [0, 0], sizes = [512, 1024], strides = [1, 1]} : vector<1024x1024xi32> to vector<512x1024xi32>
    %slice3A_299 = vector.extract_strided_slice %add3A_295 {offsets = [512, 0], sizes = [512, 1024], strides = [1, 1]} : vector<1024x1024xi32> to vector<512x1024xi32>
    %lt3A_300 = arith.cmpf olt, %slice3A_297, %slice3A_296 : vector<512x1024xf32>
    %eq3A_301 = arith.cmpf oeq, %slice3A_297, %slice3A_296 : vector<512x1024xf32>
    %lt3A_302 = arith.cmpi slt, %slice3A_299, %slice3A_298 : vector<512x1024xi32>
    %and3A_303 = arith.andi %eq3A_301, %lt3A_302 : vector<512x1024xi1>
    %or3A_304 = arith.ori %lt3A_300, %and3A_303 : vector<512x1024xi1>
    %select_n3A_305 = arith.select %or3A_304, %slice3A_297, %slice3A_296 : vector<512x1024xi1>, vector<512x1024xf32>
    %select_n3A_306 = arith.select %or3A_304, %slice3A_299, %slice3A_298 : vector<512x1024xi1>, vector<512x1024xi32>
    %slice3A_307 = vector.extract_strided_slice %select_n3A_305 {offsets = [0, 0], sizes = [256, 1024], strides = [1, 1]} : vector<512x1024xf32> to vector<256x1024xf32>
    %slice3A_308 = vector.extract_strided_slice %select_n3A_305 {offsets = [256, 0], sizes = [256, 1024], strides = [1, 1]} : vector<512x1024xf32> to vector<256x1024xf32>
    %slice3A_309 = vector.extract_strided_slice %select_n3A_306 {offsets = [0, 0], sizes = [256, 1024], strides = [1, 1]} : vector<512x1024xi32> to vector<256x1024xi32>
    %slice3A_310 = vector.extract_strided_slice %select_n3A_306 {offsets = [256, 0], sizes = [256, 1024], strides = [1, 1]} : vector<512x1024xi32> to vector<256x1024xi32>
    %lt3A_311 = arith.cmpf olt, %slice3A_308, %slice3A_307 : vector<256x1024xf32>
    %eq3A_312 = arith.cmpf oeq, %slice3A_308, %slice3A_307 : vector<256x1024xf32>
    %lt3A_313 = arith.cmpi slt, %slice3A_310, %slice3A_309 : vector<256x1024xi32>
    %and3A_314 = arith.andi %eq3A_312, %lt3A_313 : vector<256x1024xi1>
    %or3A_315 = arith.ori %lt3A_311, %and3A_314 : vector<256x1024xi1>
    %select_n3A_316 = arith.select %or3A_315, %slice3A_308, %slice3A_307 : vector<256x1024xi1>, vector<256x1024xf32>
    %select_n3A_317 = arith.select %or3A_315, %slice3A_310, %slice3A_309 : vector<256x1024xi1>, vector<256x1024xi32>
    %slice3A_318 = vector.extract_strided_slice %select_n3A_316 {offsets = [0, 0], sizes = [128, 1024], strides = [1, 1]} : vector<256x1024xf32> to vector<128x1024xf32>
    %slice3A_319 = vector.extract_strided_slice %select_n3A_316 {offsets = [128, 0], sizes = [128, 1024], strides = [1, 1]} : vector<256x1024xf32> to vector<128x1024xf32>
    %slice3A_320 = vector.extract_strided_slice %select_n3A_317 {offsets = [0, 0], sizes = [128, 1024], strides = [1, 1]} : vector<256x1024xi32> to vector<128x1024xi32>
    %slice3A_321 = vector.extract_strided_slice %select_n3A_317 {offsets = [128, 0], sizes = [128, 1024], strides = [1, 1]} : vector<256x1024xi32> to vector<128x1024xi32>
    %lt3A_322 = arith.cmpf olt, %slice3A_319, %slice3A_318 : vector<128x1024xf32>
    %eq3A_323 = arith.cmpf oeq, %slice3A_319, %slice3A_318 : vector<128x1024xf32>
    %lt3A_324 = arith.cmpi slt, %slice3A_321, %slice3A_320 : vector<128x1024xi32>
    %and3A_325 = arith.andi %eq3A_323, %lt3A_324 : vector<128x1024xi1>
    %or3A_326 = arith.ori %lt3A_322, %and3A_325 : vector<128x1024xi1>
    %select_n3A_327 = arith.select %or3A_326, %slice3A_319, %slice3A_318 : vector<128x1024xi1>, vector<128x1024xf32>
    %select_n3A_328 = arith.select %or3A_326, %slice3A_321, %slice3A_320 : vector<128x1024xi1>, vector<128x1024xi32>
    %slice3A_329 = vector.extract_strided_slice %select_n3A_327 {offsets = [0, 0], sizes = [64, 1024], strides = [1, 1]} : vector<128x1024xf32> to vector<64x1024xf32>
    %slice3A_330 = vector.extract_strided_slice %select_n3A_327 {offsets = [64, 0], sizes = [64, 1024], strides = [1, 1]} : vector<128x1024xf32> to vector<64x1024xf32>
    %slice3A_331 = vector.extract_strided_slice %select_n3A_328 {offsets = [0, 0], sizes = [64, 1024], strides = [1, 1]} : vector<128x1024xi32> to vector<64x1024xi32>
    %slice3A_332 = vector.extract_strided_slice %select_n3A_328 {offsets = [64, 0], sizes = [64, 1024], strides = [1, 1]} : vector<128x1024xi32> to vector<64x1024xi32>
    %lt3A_333 = arith.cmpf olt, %slice3A_330, %slice3A_329 : vector<64x1024xf32>
    %eq3A_334 = arith.cmpf oeq, %slice3A_330, %slice3A_329 : vector<64x1024xf32>
    %lt3A_335 = arith.cmpi slt, %slice3A_332, %slice3A_331 : vector<64x1024xi32>
    %and3A_336 = arith.andi %eq3A_334, %lt3A_335 : vector<64x1024xi1>
    %or3A_337 = arith.ori %lt3A_333, %and3A_336 : vector<64x1024xi1>
    %select_n3A_338 = arith.select %or3A_337, %slice3A_330, %slice3A_329 : vector<64x1024xi1>, vector<64x1024xf32>
    %select_n3A_339 = arith.select %or3A_337, %slice3A_332, %slice3A_331 : vector<64x1024xi1>, vector<64x1024xi32>
    %slice3A_340 = vector.extract_strided_slice %select_n3A_338 {offsets = [0, 0], sizes = [32, 1024], strides = [1, 1]} : vector<64x1024xf32> to vector<32x1024xf32>
    %slice3A_341 = vector.extract_strided_slice %select_n3A_338 {offsets = [32, 0], sizes = [32, 1024], strides = [1, 1]} : vector<64x1024xf32> to vector<32x1024xf32>
    %slice3A_342 = vector.extract_strided_slice %select_n3A_339 {offsets = [0, 0], sizes = [32, 1024], strides = [1, 1]} : vector<64x1024xi32> to vector<32x1024xi32>
    %slice3A_343 = vector.extract_strided_slice %select_n3A_339 {offsets = [32, 0], sizes = [32, 1024], strides = [1, 1]} : vector<64x1024xi32> to vector<32x1024xi32>
    %lt3A_344 = arith.cmpf olt, %slice3A_341, %slice3A_340 : vector<32x1024xf32>
    %eq3A_345 = arith.cmpf oeq, %slice3A_341, %slice3A_340 : vector<32x1024xf32>
    %lt3A_346 = arith.cmpi slt, %slice3A_343, %slice3A_342 : vector<32x1024xi32>
    %and3A_347 = arith.andi %eq3A_345, %lt3A_346 : vector<32x1024xi1>
    %or3A_348 = arith.ori %lt3A_344, %and3A_347 : vector<32x1024xi1>
    %select_n3A_349 = arith.select %or3A_348, %slice3A_341, %slice3A_340 : vector<32x1024xi1>, vector<32x1024xf32>
    %select_n3A_350 = arith.select %or3A_348, %slice3A_343, %slice3A_342 : vector<32x1024xi1>, vector<32x1024xi32>
    %slice3A_351 = vector.extract_strided_slice %select_n3A_349 {offsets = [0, 0], sizes = [16, 1024], strides = [1, 1]} : vector<32x1024xf32> to vector<16x1024xf32>
    %slice3A_352 = vector.extract_strided_slice %select_n3A_349 {offsets = [16, 0], sizes = [16, 1024], strides = [1, 1]} : vector<32x1024xf32> to vector<16x1024xf32>
    %slice3A_353 = vector.extract_strided_slice %select_n3A_350 {offsets = [0, 0], sizes = [16, 1024], strides = [1, 1]} : vector<32x1024xi32> to vector<16x1024xi32>
    %slice3A_354 = vector.extract_strided_slice %select_n3A_350 {offsets = [16, 0], sizes = [16, 1024], strides = [1, 1]} : vector<32x1024xi32> to vector<16x1024xi32>
    %lt3A_355 = arith.cmpf olt, %slice3A_352, %slice3A_351 : vector<16x1024xf32>
    %eq3A_356 = arith.cmpf oeq, %slice3A_352, %slice3A_351 : vector<16x1024xf32>
    %lt3A_357 = arith.cmpi slt, %slice3A_354, %slice3A_353 : vector<16x1024xi32>
    %and3A_358 = arith.andi %eq3A_356, %lt3A_357 : vector<16x1024xi1>
    %or3A_359 = arith.ori %lt3A_355, %and3A_358 : vector<16x1024xi1>
    %select_n3A_360 = arith.select %or3A_359, %slice3A_352, %slice3A_351 : vector<16x1024xi1>, vector<16x1024xf32>
    %select_n3A_361 = arith.select %or3A_359, %slice3A_354, %slice3A_353 : vector<16x1024xi1>, vector<16x1024xi32>
    %slice3A_362 = vector.extract_strided_slice %select_n3A_360 {offsets = [0, 0], sizes = [8, 1024], strides = [1, 1]} : vector<16x1024xf32> to vector<8x1024xf32>
    %slice3A_363 = vector.extract_strided_slice %select_n3A_360 {offsets = [8, 0], sizes = [8, 1024], strides = [1, 1]} : vector<16x1024xf32> to vector<8x1024xf32>
    %slice3A_364 = vector.extract_strided_slice %select_n3A_361 {offsets = [0, 0], sizes = [8, 1024], strides = [1, 1]} : vector<16x1024xi32> to vector<8x1024xi32>
    %slice3A_365 = vector.extract_strided_slice %select_n3A_361 {offsets = [8, 0], sizes = [8, 1024], strides = [1, 1]} : vector<16x1024xi32> to vector<8x1024xi32>
    %lt3A_366 = arith.cmpf olt, %slice3A_363, %slice3A_362 : vector<8x1024xf32>
    %eq3A_367 = arith.cmpf oeq, %slice3A_363, %slice3A_362 : vector<8x1024xf32>
    %lt3A_368 = arith.cmpi slt, %slice3A_365, %slice3A_364 : vector<8x1024xi32>
    %and3A_369 = arith.andi %eq3A_367, %lt3A_368 : vector<8x1024xi1>
    %or3A_370 = arith.ori %lt3A_366, %and3A_369 : vector<8x1024xi1>
    %select_n3A_371 = arith.select %or3A_370, %slice3A_363, %slice3A_362 : vector<8x1024xi1>, vector<8x1024xf32>
    %select_n3A_372 = arith.select %or3A_370, %slice3A_365, %slice3A_364 : vector<8x1024xi1>, vector<8x1024xi32>
    %slice3A_373 = vector.extract_strided_slice %select_n3A_371 {offsets = [0, 0], sizes = [4, 1024], strides = [1, 1]} : vector<8x1024xf32> to vector<4x1024xf32>
    %slice3A_374 = vector.extract_strided_slice %select_n3A_371 {offsets = [4, 0], sizes = [4, 1024], strides = [1, 1]} : vector<8x1024xf32> to vector<4x1024xf32>
    %slice3A_375 = vector.extract_strided_slice %select_n3A_372 {offsets = [0, 0], sizes = [4, 1024], strides = [1, 1]} : vector<8x1024xi32> to vector<4x1024xi32>
    %slice3A_376 = vector.extract_strided_slice %select_n3A_372 {offsets = [4, 0], sizes = [4, 1024], strides = [1, 1]} : vector<8x1024xi32> to vector<4x1024xi32>
    %lt3A_377 = arith.cmpf olt, %slice3A_374, %slice3A_373 : vector<4x1024xf32>
    %eq3A_378 = arith.cmpf oeq, %slice3A_374, %slice3A_373 : vector<4x1024xf32>
    %lt3A_379 = arith.cmpi slt, %slice3A_376, %slice3A_375 : vector<4x1024xi32>
    %and3A_380 = arith.andi %eq3A_378, %lt3A_379 : vector<4x1024xi1>
    %or3A_381 = arith.ori %lt3A_377, %and3A_380 : vector<4x1024xi1>
    %select_n3A_382 = arith.select %or3A_381, %slice3A_374, %slice3A_373 : vector<4x1024xi1>, vector<4x1024xf32>
    %select_n3A_383 = arith.select %or3A_381, %slice3A_376, %slice3A_375 : vector<4x1024xi1>, vector<4x1024xi32>
    %slice3A_384 = vector.extract_strided_slice %select_n3A_382 {offsets = [0, 0], sizes = [2, 1024], strides = [1, 1]} : vector<4x1024xf32> to vector<2x1024xf32>
    %slice3A_385 = vector.extract_strided_slice %select_n3A_382 {offsets = [2, 0], sizes = [2, 1024], strides = [1, 1]} : vector<4x1024xf32> to vector<2x1024xf32>
    %slice3A_386 = vector.extract_strided_slice %select_n3A_383 {offsets = [0, 0], sizes = [2, 1024], strides = [1, 1]} : vector<4x1024xi32> to vector<2x1024xi32>
    %slice3A_387 = vector.extract_strided_slice %select_n3A_383 {offsets = [2, 0], sizes = [2, 1024], strides = [1, 1]} : vector<4x1024xi32> to vector<2x1024xi32>
    %lt3A_388 = arith.cmpf olt, %slice3A_385, %slice3A_384 : vector<2x1024xf32>
    %eq3A_389 = arith.cmpf oeq, %slice3A_385, %slice3A_384 : vector<2x1024xf32>
    %lt3A_390 = arith.cmpi slt, %slice3A_387, %slice3A_386 : vector<2x1024xi32>
    %and3A_391 = arith.andi %eq3A_389, %lt3A_390 : vector<2x1024xi1>
    %or3A_392 = arith.ori %lt3A_388, %and3A_391 : vector<2x1024xi1>
    %select_n3A_393 = arith.select %or3A_392, %slice3A_385, %slice3A_384 : vector<2x1024xi1>, vector<2x1024xf32>
    %select_n3A_394 = arith.select %or3A_392, %slice3A_387, %slice3A_386 : vector<2x1024xi1>, vector<2x1024xi32>
    %slice3A_395 = vector.extract_strided_slice %select_n3A_393 {offsets = [0, 0], sizes = [1, 1024], strides = [1, 1]} : vector<2x1024xf32> to vector<1x1024xf32>
    %slice3A_396 = vector.extract_strided_slice %select_n3A_393 {offsets = [1, 0], sizes = [1, 1024], strides = [1, 1]} : vector<2x1024xf32> to vector<1x1024xf32>
    %slice3A_397 = vector.extract_strided_slice %select_n3A_394 {offsets = [0, 0], sizes = [1, 1024], strides = [1, 1]} : vector<2x1024xi32> to vector<1x1024xi32>
    %slice3A_398 = vector.extract_strided_slice %select_n3A_394 {offsets = [1, 0], sizes = [1, 1024], strides = [1, 1]} : vector<2x1024xi32> to vector<1x1024xi32>
    %lt3A_399 = arith.cmpf olt, %slice3A_396, %slice3A_395 : vector<1x1024xf32>
    %eq3A_400 = arith.cmpf oeq, %slice3A_396, %slice3A_395 : vector<1x1024xf32>
    %lt3A_401 = arith.cmpi slt, %slice3A_398, %slice3A_397 : vector<1x1024xi32>
    %and3A_402 = arith.andi %eq3A_400, %lt3A_401 : vector<1x1024xi1>
    %or3A_403 = arith.ori %lt3A_399, %and3A_402 : vector<1x1024xi1>
    %select_n3A_404 = arith.select %or3A_403, %slice3A_396, %slice3A_395 : vector<1x1024xi1>, vector<1x1024xf32>
    %select_n3A_405 = arith.select %or3A_403, %slice3A_398, %slice3A_397 : vector<1x1024xi1>, vector<1x1024xi32>
    %squeeze3A_406 = vector.shape_cast %select_n3A_404 : vector<1x1024xf32> to vector<1024xf32>
    %squeeze3A_407 = vector.shape_cast %select_n3A_405 : vector<1x1024xi32> to vector<1024xi32>
    %lt3A_408 = arith.cmpf olt, %squeeze3A_406, %select_n3A_270 : vector<1024xf32>
    %select_n3A_409 = arith.select %lt3A_408, %squeeze3A_407, %select_n3A_269 : vector<1024xi1>, vector<1024xi32>
    %select_n3A_410 = arith.select %lt3A_408, %squeeze3A_406, %select_n3A_270 : vector<1024xi1>, vector<1024xf32>
    %get3A_411 = arith.constant 3072 : index
    %get3A_412 = arith.constant 0 : index
    %get3A_413 = vector.load %arg2[%get3A_411, %get3A_412] : memref<8192x256xf32, #tpu.memory_space<vmem>>, vector<1024x256xf32>
    %mul3A_414 = arith.mulf %get3A_413, %get3A_413 : vector<1024x256xf32>
    %slice3A_415 = vector.extract_strided_slice %mul3A_414 {offsets = [0, 0], sizes = [1024, 128], strides = [1, 1]} : vector<1024x256xf32> to vector<1024x128xf32>
    %slice3A_416 = vector.extract_strided_slice %mul3A_414 {offsets = [0, 128], sizes = [1024, 128], strides = [1, 1]} : vector<1024x256xf32> to vector<1024x128xf32>
    %add3A_417 = arith.addf %slice3A_415, %slice3A_416 : vector<1024x128xf32>
    %reduce_sum3A_418 = arith.constant dense<0.000000e+00> : vector<1024xf32>
    %reduce_sum3A_419 = vector.multi_reduction <add>, %add3A_417, %reduce_sum3A_418 [1] : vector<1024x128xf32> to vector<1024xf32>
    %convert_element_type3A_420 = arith.truncf %get3A_413 : vector<1024x256xf32> to vector<1024x256xbf16>
    %dot_general3A_421 = arith.constant dense<0.000000e+00> : vector<1024x1024xf32>
    %dot_general3A_422 = tpu.matmul %convert_element_type3A_420, %convert_element_type3A, %dot_general3A_421 {dimension_numbers = #tpu.dot_dimension_numbers<[1], [1], [0], [0], [0, 0, 1, 0], [], []>, transpose_lhs_hint = false} : vector<1024x256xbf16>, vector<1024x256xbf16>, vector<1024x1024xf32> -> vector<1024x1024xf32>
    %broadcast_in_dim3A_423 = vector.shape_cast %reduce_sum3A_419 : vector<1024xf32> to vector<1024x1xf32>
    %broadcast_in_dim3A_424 = vector.shape_cast %reduce_sum3A_3 : vector<1024xf32> to vector<1x1024xf32>
    %add3A_425 = vector.broadcast %broadcast_in_dim3A_423 : vector<1024x1xf32> to vector<1024x1024xf32>
    %add3A_426 = vector.broadcast %broadcast_in_dim3A_424 : vector<1x1024xf32> to vector<1024x1024xf32>
    %add3A_427 = arith.addf %add3A_425, %add3A_426 : vector<1024x1024xf32>
    %mul3A_428 = arith.constant 2.000000e+00 : f32
    %mul3A_429 = vector.broadcast %mul3A_428 : f32 to vector<1024x1024xf32>
    %mul3A_430 = arith.mulf %mul3A_429, %dot_general3A_422 : vector<1024x1024xf32>
    %sub3A_431 = arith.subf %add3A_427, %mul3A_430 : vector<1024x1024xf32>
    %iota3A_432 = tpu.iota {dimensions = array<i32: 0>} : vector<1024x1024xi32>
    %add3A_433 = arith.constant 3072 : i32
    %add3A_434 = vector.broadcast %add3A_433 : i32 to vector<1024x1024xi32>
    %add3A_435 = arith.addi %iota3A_432, %add3A_434 : vector<1024x1024xi32>
    %slice3A_436 = vector.extract_strided_slice %sub3A_431 {offsets = [0, 0], sizes = [512, 1024], strides = [1, 1]} : vector<1024x1024xf32> to vector<512x1024xf32>
    %slice3A_437 = vector.extract_strided_slice %sub3A_431 {offsets = [512, 0], sizes = [512, 1024], strides = [1, 1]} : vector<1024x1024xf32> to vector<512x1024xf32>
    %slice3A_438 = vector.extract_strided_slice %add3A_435 {offsets = [0, 0], sizes = [512, 1024], strides = [1, 1]} : vector<1024x1024xi32> to vector<512x1024xi32>
    %slice3A_439 = vector.extract_strided_slice %add3A_435 {offsets = [512, 0], sizes = [512, 1024], strides = [1, 1]} : vector<1024x1024xi32> to vector<512x1024xi32>
    %lt3A_440 = arith.cmpf olt, %slice3A_437, %slice3A_436 : vector<512x1024xf32>
    %eq3A_441 = arith.cmpf oeq, %slice3A_437, %slice3A_436 : vector<512x1024xf32>
    %lt3A_442 = arith.cmpi slt, %slice3A_439, %slice3A_438 : vector<512x1024xi32>
    %and3A_443 = arith.andi %eq3A_441, %lt3A_442 : vector<512x1024xi1>
    %or3A_444 = arith.ori %lt3A_440, %and3A_443 : vector<512x1024xi1>
    %select_n3A_445 = arith.select %or3A_444, %slice3A_437, %slice3A_436 : vector<512x1024xi1>, vector<512x1024xf32>
    %select_n3A_446 = arith.select %or3A_444, %slice3A_439, %slice3A_438 : vector<512x1024xi1>, vector<512x1024xi32>
    %slice3A_447 = vector.extract_strided_slice %select_n3A_445 {offsets = [0, 0], sizes = [256, 1024], strides = [1, 1]} : vector<512x1024xf32> to vector<256x1024xf32>
    %slice3A_448 = vector.extract_strided_slice %select_n3A_445 {offsets = [256, 0], sizes = [256, 1024], strides = [1, 1]} : vector<512x1024xf32> to vector<256x1024xf32>
    %slice3A_449 = vector.extract_strided_slice %select_n3A_446 {offsets = [0, 0], sizes = [256, 1024], strides = [1, 1]} : vector<512x1024xi32> to vector<256x1024xi32>
    %slice3A_450 = vector.extract_strided_slice %select_n3A_446 {offsets = [256, 0], sizes = [256, 1024], strides = [1, 1]} : vector<512x1024xi32> to vector<256x1024xi32>
    %lt3A_451 = arith.cmpf olt, %slice3A_448, %slice3A_447 : vector<256x1024xf32>
    %eq3A_452 = arith.cmpf oeq, %slice3A_448, %slice3A_447 : vector<256x1024xf32>
    %lt3A_453 = arith.cmpi slt, %slice3A_450, %slice3A_449 : vector<256x1024xi32>
    %and3A_454 = arith.andi %eq3A_452, %lt3A_453 : vector<256x1024xi1>
    %or3A_455 = arith.ori %lt3A_451, %and3A_454 : vector<256x1024xi1>
    %select_n3A_456 = arith.select %or3A_455, %slice3A_448, %slice3A_447 : vector<256x1024xi1>, vector<256x1024xf32>
    %select_n3A_457 = arith.select %or3A_455, %slice3A_450, %slice3A_449 : vector<256x1024xi1>, vector<256x1024xi32>
    %slice3A_458 = vector.extract_strided_slice %select_n3A_456 {offsets = [0, 0], sizes = [128, 1024], strides = [1, 1]} : vector<256x1024xf32> to vector<128x1024xf32>
    %slice3A_459 = vector.extract_strided_slice %select_n3A_456 {offsets = [128, 0], sizes = [128, 1024], strides = [1, 1]} : vector<256x1024xf32> to vector<128x1024xf32>
    %slice3A_460 = vector.extract_strided_slice %select_n3A_457 {offsets = [0, 0], sizes = [128, 1024], strides = [1, 1]} : vector<256x1024xi32> to vector<128x1024xi32>
    %slice3A_461 = vector.extract_strided_slice %select_n3A_457 {offsets = [128, 0], sizes = [128, 1024], strides = [1, 1]} : vector<256x1024xi32> to vector<128x1024xi32>
    %lt3A_462 = arith.cmpf olt, %slice3A_459, %slice3A_458 : vector<128x1024xf32>
    %eq3A_463 = arith.cmpf oeq, %slice3A_459, %slice3A_458 : vector<128x1024xf32>
    %lt3A_464 = arith.cmpi slt, %slice3A_461, %slice3A_460 : vector<128x1024xi32>
    %and3A_465 = arith.andi %eq3A_463, %lt3A_464 : vector<128x1024xi1>
    %or3A_466 = arith.ori %lt3A_462, %and3A_465 : vector<128x1024xi1>
    %select_n3A_467 = arith.select %or3A_466, %slice3A_459, %slice3A_458 : vector<128x1024xi1>, vector<128x1024xf32>
    %select_n3A_468 = arith.select %or3A_466, %slice3A_461, %slice3A_460 : vector<128x1024xi1>, vector<128x1024xi32>
    %slice3A_469 = vector.extract_strided_slice %select_n3A_467 {offsets = [0, 0], sizes = [64, 1024], strides = [1, 1]} : vector<128x1024xf32> to vector<64x1024xf32>
    %slice3A_470 = vector.extract_strided_slice %select_n3A_467 {offsets = [64, 0], sizes = [64, 1024], strides = [1, 1]} : vector<128x1024xf32> to vector<64x1024xf32>
    %slice3A_471 = vector.extract_strided_slice %select_n3A_468 {offsets = [0, 0], sizes = [64, 1024], strides = [1, 1]} : vector<128x1024xi32> to vector<64x1024xi32>
    %slice3A_472 = vector.extract_strided_slice %select_n3A_468 {offsets = [64, 0], sizes = [64, 1024], strides = [1, 1]} : vector<128x1024xi32> to vector<64x1024xi32>
    %lt3A_473 = arith.cmpf olt, %slice3A_470, %slice3A_469 : vector<64x1024xf32>
    %eq3A_474 = arith.cmpf oeq, %slice3A_470, %slice3A_469 : vector<64x1024xf32>
    %lt3A_475 = arith.cmpi slt, %slice3A_472, %slice3A_471 : vector<64x1024xi32>
    %and3A_476 = arith.andi %eq3A_474, %lt3A_475 : vector<64x1024xi1>
    %or3A_477 = arith.ori %lt3A_473, %and3A_476 : vector<64x1024xi1>
    %select_n3A_478 = arith.select %or3A_477, %slice3A_470, %slice3A_469 : vector<64x1024xi1>, vector<64x1024xf32>
    %select_n3A_479 = arith.select %or3A_477, %slice3A_472, %slice3A_471 : vector<64x1024xi1>, vector<64x1024xi32>
    %slice3A_480 = vector.extract_strided_slice %select_n3A_478 {offsets = [0, 0], sizes = [32, 1024], strides = [1, 1]} : vector<64x1024xf32> to vector<32x1024xf32>
    %slice3A_481 = vector.extract_strided_slice %select_n3A_478 {offsets = [32, 0], sizes = [32, 1024], strides = [1, 1]} : vector<64x1024xf32> to vector<32x1024xf32>
    %slice3A_482 = vector.extract_strided_slice %select_n3A_479 {offsets = [0, 0], sizes = [32, 1024], strides = [1, 1]} : vector<64x1024xi32> to vector<32x1024xi32>
    %slice3A_483 = vector.extract_strided_slice %select_n3A_479 {offsets = [32, 0], sizes = [32, 1024], strides = [1, 1]} : vector<64x1024xi32> to vector<32x1024xi32>
    %lt3A_484 = arith.cmpf olt, %slice3A_481, %slice3A_480 : vector<32x1024xf32>
    %eq3A_485 = arith.cmpf oeq, %slice3A_481, %slice3A_480 : vector<32x1024xf32>
    %lt3A_486 = arith.cmpi slt, %slice3A_483, %slice3A_482 : vector<32x1024xi32>
    %and3A_487 = arith.andi %eq3A_485, %lt3A_486 : vector<32x1024xi1>
    %or3A_488 = arith.ori %lt3A_484, %and3A_487 : vector<32x1024xi1>
    %select_n3A_489 = arith.select %or3A_488, %slice3A_481, %slice3A_480 : vector<32x1024xi1>, vector<32x1024xf32>
    %select_n3A_490 = arith.select %or3A_488, %slice3A_483, %slice3A_482 : vector<32x1024xi1>, vector<32x1024xi32>
    %slice3A_491 = vector.extract_strided_slice %select_n3A_489 {offsets = [0, 0], sizes = [16, 1024], strides = [1, 1]} : vector<32x1024xf32> to vector<16x1024xf32>
    %slice3A_492 = vector.extract_strided_slice %select_n3A_489 {offsets = [16, 0], sizes = [16, 1024], strides = [1, 1]} : vector<32x1024xf32> to vector<16x1024xf32>
    %slice3A_493 = vector.extract_strided_slice %select_n3A_490 {offsets = [0, 0], sizes = [16, 1024], strides = [1, 1]} : vector<32x1024xi32> to vector<16x1024xi32>
    %slice3A_494 = vector.extract_strided_slice %select_n3A_490 {offsets = [16, 0], sizes = [16, 1024], strides = [1, 1]} : vector<32x1024xi32> to vector<16x1024xi32>
    %lt3A_495 = arith.cmpf olt, %slice3A_492, %slice3A_491 : vector<16x1024xf32>
    %eq3A_496 = arith.cmpf oeq, %slice3A_492, %slice3A_491 : vector<16x1024xf32>
    %lt3A_497 = arith.cmpi slt, %slice3A_494, %slice3A_493 : vector<16x1024xi32>
    %and3A_498 = arith.andi %eq3A_496, %lt3A_497 : vector<16x1024xi1>
    %or3A_499 = arith.ori %lt3A_495, %and3A_498 : vector<16x1024xi1>
    %select_n3A_500 = arith.select %or3A_499, %slice3A_492, %slice3A_491 : vector<16x1024xi1>, vector<16x1024xf32>
    %select_n3A_501 = arith.select %or3A_499, %slice3A_494, %slice3A_493 : vector<16x1024xi1>, vector<16x1024xi32>
    %slice3A_502 = vector.extract_strided_slice %select_n3A_500 {offsets = [0, 0], sizes = [8, 1024], strides = [1, 1]} : vector<16x1024xf32> to vector<8x1024xf32>
    %slice3A_503 = vector.extract_strided_slice %select_n3A_500 {offsets = [8, 0], sizes = [8, 1024], strides = [1, 1]} : vector<16x1024xf32> to vector<8x1024xf32>
    %slice3A_504 = vector.extract_strided_slice %select_n3A_501 {offsets = [0, 0], sizes = [8, 1024], strides = [1, 1]} : vector<16x1024xi32> to vector<8x1024xi32>
    %slice3A_505 = vector.extract_strided_slice %select_n3A_501 {offsets = [8, 0], sizes = [8, 1024], strides = [1, 1]} : vector<16x1024xi32> to vector<8x1024xi32>
    %lt3A_506 = arith.cmpf olt, %slice3A_503, %slice3A_502 : vector<8x1024xf32>
    %eq3A_507 = arith.cmpf oeq, %slice3A_503, %slice3A_502 : vector<8x1024xf32>
    %lt3A_508 = arith.cmpi slt, %slice3A_505, %slice3A_504 : vector<8x1024xi32>
    %and3A_509 = arith.andi %eq3A_507, %lt3A_508 : vector<8x1024xi1>
    %or3A_510 = arith.ori %lt3A_506, %and3A_509 : vector<8x1024xi1>
    %select_n3A_511 = arith.select %or3A_510, %slice3A_503, %slice3A_502 : vector<8x1024xi1>, vector<8x1024xf32>
    %select_n3A_512 = arith.select %or3A_510, %slice3A_505, %slice3A_504 : vector<8x1024xi1>, vector<8x1024xi32>
    %slice3A_513 = vector.extract_strided_slice %select_n3A_511 {offsets = [0, 0], sizes = [4, 1024], strides = [1, 1]} : vector<8x1024xf32> to vector<4x1024xf32>
    %slice3A_514 = vector.extract_strided_slice %select_n3A_511 {offsets = [4, 0], sizes = [4, 1024], strides = [1, 1]} : vector<8x1024xf32> to vector<4x1024xf32>
    %slice3A_515 = vector.extract_strided_slice %select_n3A_512 {offsets = [0, 0], sizes = [4, 1024], strides = [1, 1]} : vector<8x1024xi32> to vector<4x1024xi32>
    %slice3A_516 = vector.extract_strided_slice %select_n3A_512 {offsets = [4, 0], sizes = [4, 1024], strides = [1, 1]} : vector<8x1024xi32> to vector<4x1024xi32>
    %lt3A_517 = arith.cmpf olt, %slice3A_514, %slice3A_513 : vector<4x1024xf32>
    %eq3A_518 = arith.cmpf oeq, %slice3A_514, %slice3A_513 : vector<4x1024xf32>
    %lt3A_519 = arith.cmpi slt, %slice3A_516, %slice3A_515 : vector<4x1024xi32>
    %and3A_520 = arith.andi %eq3A_518, %lt3A_519 : vector<4x1024xi1>
    %or3A_521 = arith.ori %lt3A_517, %and3A_520 : vector<4x1024xi1>
    %select_n3A_522 = arith.select %or3A_521, %slice3A_514, %slice3A_513 : vector<4x1024xi1>, vector<4x1024xf32>
    %select_n3A_523 = arith.select %or3A_521, %slice3A_516, %slice3A_515 : vector<4x1024xi1>, vector<4x1024xi32>
    %slice3A_524 = vector.extract_strided_slice %select_n3A_522 {offsets = [0, 0], sizes = [2, 1024], strides = [1, 1]} : vector<4x1024xf32> to vector<2x1024xf32>
    %slice3A_525 = vector.extract_strided_slice %select_n3A_522 {offsets = [2, 0], sizes = [2, 1024], strides = [1, 1]} : vector<4x1024xf32> to vector<2x1024xf32>
    %slice3A_526 = vector.extract_strided_slice %select_n3A_523 {offsets = [0, 0], sizes = [2, 1024], strides = [1, 1]} : vector<4x1024xi32> to vector<2x1024xi32>
    %slice3A_527 = vector.extract_strided_slice %select_n3A_523 {offsets = [2, 0], sizes = [2, 1024], strides = [1, 1]} : vector<4x1024xi32> to vector<2x1024xi32>
    %lt3A_528 = arith.cmpf olt, %slice3A_525, %slice3A_524 : vector<2x1024xf32>
    %eq3A_529 = arith.cmpf oeq, %slice3A_525, %slice3A_524 : vector<2x1024xf32>
    %lt3A_530 = arith.cmpi slt, %slice3A_527, %slice3A_526 : vector<2x1024xi32>
    %and3A_531 = arith.andi %eq3A_529, %lt3A_530 : vector<2x1024xi1>
    %or3A_532 = arith.ori %lt3A_528, %and3A_531 : vector<2x1024xi1>
    %select_n3A_533 = arith.select %or3A_532, %slice3A_525, %slice3A_524 : vector<2x1024xi1>, vector<2x1024xf32>
    %select_n3A_534 = arith.select %or3A_532, %slice3A_527, %slice3A_526 : vector<2x1024xi1>, vector<2x1024xi32>
    %slice3A_535 = vector.extract_strided_slice %select_n3A_533 {offsets = [0, 0], sizes = [1, 1024], strides = [1, 1]} : vector<2x1024xf32> to vector<1x1024xf32>
    %slice3A_536 = vector.extract_strided_slice %select_n3A_533 {offsets = [1, 0], sizes = [1, 1024], strides = [1, 1]} : vector<2x1024xf32> to vector<1x1024xf32>
    %slice3A_537 = vector.extract_strided_slice %select_n3A_534 {offsets = [0, 0], sizes = [1, 1024], strides = [1, 1]} : vector<2x1024xi32> to vector<1x1024xi32>
    %slice3A_538 = vector.extract_strided_slice %select_n3A_534 {offsets = [1, 0], sizes = [1, 1024], strides = [1, 1]} : vector<2x1024xi32> to vector<1x1024xi32>
    %lt3A_539 = arith.cmpf olt, %slice3A_536, %slice3A_535 : vector<1x1024xf32>
    %eq3A_540 = arith.cmpf oeq, %slice3A_536, %slice3A_535 : vector<1x1024xf32>
    %lt3A_541 = arith.cmpi slt, %slice3A_538, %slice3A_537 : vector<1x1024xi32>
    %and3A_542 = arith.andi %eq3A_540, %lt3A_541 : vector<1x1024xi1>
    %or3A_543 = arith.ori %lt3A_539, %and3A_542 : vector<1x1024xi1>
    %select_n3A_544 = arith.select %or3A_543, %slice3A_536, %slice3A_535 : vector<1x1024xi1>, vector<1x1024xf32>
    %select_n3A_545 = arith.select %or3A_543, %slice3A_538, %slice3A_537 : vector<1x1024xi1>, vector<1x1024xi32>
    %squeeze3A_546 = vector.shape_cast %select_n3A_544 : vector<1x1024xf32> to vector<1024xf32>
    %squeeze3A_547 = vector.shape_cast %select_n3A_545 : vector<1x1024xi32> to vector<1024xi32>
    %lt3A_548 = arith.cmpf olt, %squeeze3A_546, %select_n3A_410 : vector<1024xf32>
    %select_n3A_549 = arith.select %lt3A_548, %squeeze3A_547, %select_n3A_409 : vector<1024xi1>, vector<1024xi32>
    %select_n3A_550 = arith.select %lt3A_548, %squeeze3A_546, %select_n3A_410 : vector<1024xi1>, vector<1024xf32>
    %get3A_551 = arith.constant 4096 : index
    %get3A_552 = arith.constant 0 : index
    %get3A_553 = vector.load %arg2[%get3A_551, %get3A_552] : memref<8192x256xf32, #tpu.memory_space<vmem>>, vector<1024x256xf32>
    %mul3A_554 = arith.mulf %get3A_553, %get3A_553 : vector<1024x256xf32>
    %slice3A_555 = vector.extract_strided_slice %mul3A_554 {offsets = [0, 0], sizes = [1024, 128], strides = [1, 1]} : vector<1024x256xf32> to vector<1024x128xf32>
    %slice3A_556 = vector.extract_strided_slice %mul3A_554 {offsets = [0, 128], sizes = [1024, 128], strides = [1, 1]} : vector<1024x256xf32> to vector<1024x128xf32>
    %add3A_557 = arith.addf %slice3A_555, %slice3A_556 : vector<1024x128xf32>
    %reduce_sum3A_558 = arith.constant dense<0.000000e+00> : vector<1024xf32>
    %reduce_sum3A_559 = vector.multi_reduction <add>, %add3A_557, %reduce_sum3A_558 [1] : vector<1024x128xf32> to vector<1024xf32>
    %convert_element_type3A_560 = arith.truncf %get3A_553 : vector<1024x256xf32> to vector<1024x256xbf16>
    %dot_general3A_561 = arith.constant dense<0.000000e+00> : vector<1024x1024xf32>
    %dot_general3A_562 = tpu.matmul %convert_element_type3A_560, %convert_element_type3A, %dot_general3A_561 {dimension_numbers = #tpu.dot_dimension_numbers<[1], [1], [0], [0], [0, 0, 1, 0], [], []>, transpose_lhs_hint = false} : vector<1024x256xbf16>, vector<1024x256xbf16>, vector<1024x1024xf32> -> vector<1024x1024xf32>
    %broadcast_in_dim3A_563 = vector.shape_cast %reduce_sum3A_559 : vector<1024xf32> to vector<1024x1xf32>
    %broadcast_in_dim3A_564 = vector.shape_cast %reduce_sum3A_3 : vector<1024xf32> to vector<1x1024xf32>
    %add3A_565 = vector.broadcast %broadcast_in_dim3A_563 : vector<1024x1xf32> to vector<1024x1024xf32>
    %add3A_566 = vector.broadcast %broadcast_in_dim3A_564 : vector<1x1024xf32> to vector<1024x1024xf32>
    %add3A_567 = arith.addf %add3A_565, %add3A_566 : vector<1024x1024xf32>
    %mul3A_568 = arith.constant 2.000000e+00 : f32
    %mul3A_569 = vector.broadcast %mul3A_568 : f32 to vector<1024x1024xf32>
    %mul3A_570 = arith.mulf %mul3A_569, %dot_general3A_562 : vector<1024x1024xf32>
    %sub3A_571 = arith.subf %add3A_567, %mul3A_570 : vector<1024x1024xf32>
    %iota3A_572 = tpu.iota {dimensions = array<i32: 0>} : vector<1024x1024xi32>
    %add3A_573 = arith.constant 4096 : i32
    %add3A_574 = vector.broadcast %add3A_573 : i32 to vector<1024x1024xi32>
    %add3A_575 = arith.addi %iota3A_572, %add3A_574 : vector<1024x1024xi32>
    %slice3A_576 = vector.extract_strided_slice %sub3A_571 {offsets = [0, 0], sizes = [512, 1024], strides = [1, 1]} : vector<1024x1024xf32> to vector<512x1024xf32>
    %slice3A_577 = vector.extract_strided_slice %sub3A_571 {offsets = [512, 0], sizes = [512, 1024], strides = [1, 1]} : vector<1024x1024xf32> to vector<512x1024xf32>
    %slice3A_578 = vector.extract_strided_slice %add3A_575 {offsets = [0, 0], sizes = [512, 1024], strides = [1, 1]} : vector<1024x1024xi32> to vector<512x1024xi32>
    %slice3A_579 = vector.extract_strided_slice %add3A_575 {offsets = [512, 0], sizes = [512, 1024], strides = [1, 1]} : vector<1024x1024xi32> to vector<512x1024xi32>
    %lt3A_580 = arith.cmpf olt, %slice3A_577, %slice3A_576 : vector<512x1024xf32>
    %eq3A_581 = arith.cmpf oeq, %slice3A_577, %slice3A_576 : vector<512x1024xf32>
    %lt3A_582 = arith.cmpi slt, %slice3A_579, %slice3A_578 : vector<512x1024xi32>
    %and3A_583 = arith.andi %eq3A_581, %lt3A_582 : vector<512x1024xi1>
    %or3A_584 = arith.ori %lt3A_580, %and3A_583 : vector<512x1024xi1>
    %select_n3A_585 = arith.select %or3A_584, %slice3A_577, %slice3A_576 : vector<512x1024xi1>, vector<512x1024xf32>
    %select_n3A_586 = arith.select %or3A_584, %slice3A_579, %slice3A_578 : vector<512x1024xi1>, vector<512x1024xi32>
    %slice3A_587 = vector.extract_strided_slice %select_n3A_585 {offsets = [0, 0], sizes = [256, 1024], strides = [1, 1]} : vector<512x1024xf32> to vector<256x1024xf32>
    %slice3A_588 = vector.extract_strided_slice %select_n3A_585 {offsets = [256, 0], sizes = [256, 1024], strides = [1, 1]} : vector<512x1024xf32> to vector<256x1024xf32>
    %slice3A_589 = vector.extract_strided_slice %select_n3A_586 {offsets = [0, 0], sizes = [256, 1024], strides = [1, 1]} : vector<512x1024xi32> to vector<256x1024xi32>
    %slice3A_590 = vector.extract_strided_slice %select_n3A_586 {offsets = [256, 0], sizes = [256, 1024], strides = [1, 1]} : vector<512x1024xi32> to vector<256x1024xi32>
    %lt3A_591 = arith.cmpf olt, %slice3A_588, %slice3A_587 : vector<256x1024xf32>
    %eq3A_592 = arith.cmpf oeq, %slice3A_588, %slice3A_587 : vector<256x1024xf32>
    %lt3A_593 = arith.cmpi slt, %slice3A_590, %slice3A_589 : vector<256x1024xi32>
    %and3A_594 = arith.andi %eq3A_592, %lt3A_593 : vector<256x1024xi1>
    %or3A_595 = arith.ori %lt3A_591, %and3A_594 : vector<256x1024xi1>
    %select_n3A_596 = arith.select %or3A_595, %slice3A_588, %slice3A_587 : vector<256x1024xi1>, vector<256x1024xf32>
    %select_n3A_597 = arith.select %or3A_595, %slice3A_590, %slice3A_589 : vector<256x1024xi1>, vector<256x1024xi32>
    %slice3A_598 = vector.extract_strided_slice %select_n3A_596 {offsets = [0, 0], sizes = [128, 1024], strides = [1, 1]} : vector<256x1024xf32> to vector<128x1024xf32>
    %slice3A_599 = vector.extract_strided_slice %select_n3A_596 {offsets = [128, 0], sizes = [128, 1024], strides = [1, 1]} : vector<256x1024xf32> to vector<128x1024xf32>
    %slice3A_600 = vector.extract_strided_slice %select_n3A_597 {offsets = [0, 0], sizes = [128, 1024], strides = [1, 1]} : vector<256x1024xi32> to vector<128x1024xi32>
    %slice3A_601 = vector.extract_strided_slice %select_n3A_597 {offsets = [128, 0], sizes = [128, 1024], strides = [1, 1]} : vector<256x1024xi32> to vector<128x1024xi32>
    %lt3A_602 = arith.cmpf olt, %slice3A_599, %slice3A_598 : vector<128x1024xf32>
    %eq3A_603 = arith.cmpf oeq, %slice3A_599, %slice3A_598 : vector<128x1024xf32>
    %lt3A_604 = arith.cmpi slt, %slice3A_601, %slice3A_600 : vector<128x1024xi32>
    %and3A_605 = arith.andi %eq3A_603, %lt3A_604 : vector<128x1024xi1>
    %or3A_606 = arith.ori %lt3A_602, %and3A_605 : vector<128x1024xi1>
    %select_n3A_607 = arith.select %or3A_606, %slice3A_599, %slice3A_598 : vector<128x1024xi1>, vector<128x1024xf32>
    %select_n3A_608 = arith.select %or3A_606, %slice3A_601, %slice3A_600 : vector<128x1024xi1>, vector<128x1024xi32>
    %slice3A_609 = vector.extract_strided_slice %select_n3A_607 {offsets = [0, 0], sizes = [64, 1024], strides = [1, 1]} : vector<128x1024xf32> to vector<64x1024xf32>
    %slice3A_610 = vector.extract_strided_slice %select_n3A_607 {offsets = [64, 0], sizes = [64, 1024], strides = [1, 1]} : vector<128x1024xf32> to vector<64x1024xf32>
    %slice3A_611 = vector.extract_strided_slice %select_n3A_608 {offsets = [0, 0], sizes = [64, 1024], strides = [1, 1]} : vector<128x1024xi32> to vector<64x1024xi32>
    %slice3A_612 = vector.extract_strided_slice %select_n3A_608 {offsets = [64, 0], sizes = [64, 1024], strides = [1, 1]} : vector<128x1024xi32> to vector<64x1024xi32>
    %lt3A_613 = arith.cmpf olt, %slice3A_610, %slice3A_609 : vector<64x1024xf32>
    %eq3A_614 = arith.cmpf oeq, %slice3A_610, %slice3A_609 : vector<64x1024xf32>
    %lt3A_615 = arith.cmpi slt, %slice3A_612, %slice3A_611 : vector<64x1024xi32>
    %and3A_616 = arith.andi %eq3A_614, %lt3A_615 : vector<64x1024xi1>
    %or3A_617 = arith.ori %lt3A_613, %and3A_616 : vector<64x1024xi1>
    %select_n3A_618 = arith.select %or3A_617, %slice3A_610, %slice3A_609 : vector<64x1024xi1>, vector<64x1024xf32>
    %select_n3A_619 = arith.select %or3A_617, %slice3A_612, %slice3A_611 : vector<64x1024xi1>, vector<64x1024xi32>
    %slice3A_620 = vector.extract_strided_slice %select_n3A_618 {offsets = [0, 0], sizes = [32, 1024], strides = [1, 1]} : vector<64x1024xf32> to vector<32x1024xf32>
    %slice3A_621 = vector.extract_strided_slice %select_n3A_618 {offsets = [32, 0], sizes = [32, 1024], strides = [1, 1]} : vector<64x1024xf32> to vector<32x1024xf32>
    %slice3A_622 = vector.extract_strided_slice %select_n3A_619 {offsets = [0, 0], sizes = [32, 1024], strides = [1, 1]} : vector<64x1024xi32> to vector<32x1024xi32>
    %slice3A_623 = vector.extract_strided_slice %select_n3A_619 {offsets = [32, 0], sizes = [32, 1024], strides = [1, 1]} : vector<64x1024xi32> to vector<32x1024xi32>
    %lt3A_624 = arith.cmpf olt, %slice3A_621, %slice3A_620 : vector<32x1024xf32>
    %eq3A_625 = arith.cmpf oeq, %slice3A_621, %slice3A_620 : vector<32x1024xf32>
    %lt3A_626 = arith.cmpi slt, %slice3A_623, %slice3A_622 : vector<32x1024xi32>
    %and3A_627 = arith.andi %eq3A_625, %lt3A_626 : vector<32x1024xi1>
    %or3A_628 = arith.ori %lt3A_624, %and3A_627 : vector<32x1024xi1>
    %select_n3A_629 = arith.select %or3A_628, %slice3A_621, %slice3A_620 : vector<32x1024xi1>, vector<32x1024xf32>
    %select_n3A_630 = arith.select %or3A_628, %slice3A_623, %slice3A_622 : vector<32x1024xi1>, vector<32x1024xi32>
    %slice3A_631 = vector.extract_strided_slice %select_n3A_629 {offsets = [0, 0], sizes = [16, 1024], strides = [1, 1]} : vector<32x1024xf32> to vector<16x1024xf32>
    %slice3A_632 = vector.extract_strided_slice %select_n3A_629 {offsets = [16, 0], sizes = [16, 1024], strides = [1, 1]} : vector<32x1024xf32> to vector<16x1024xf32>
    %slice3A_633 = vector.extract_strided_slice %select_n3A_630 {offsets = [0, 0], sizes = [16, 1024], strides = [1, 1]} : vector<32x1024xi32> to vector<16x1024xi32>
    %slice3A_634 = vector.extract_strided_slice %select_n3A_630 {offsets = [16, 0], sizes = [16, 1024], strides = [1, 1]} : vector<32x1024xi32> to vector<16x1024xi32>
    %lt3A_635 = arith.cmpf olt, %slice3A_632, %slice3A_631 : vector<16x1024xf32>
    %eq3A_636 = arith.cmpf oeq, %slice3A_632, %slice3A_631 : vector<16x1024xf32>
    %lt3A_637 = arith.cmpi slt, %slice3A_634, %slice3A_633 : vector<16x1024xi32>
    %and3A_638 = arith.andi %eq3A_636, %lt3A_637 : vector<16x1024xi1>
    %or3A_639 = arith.ori %lt3A_635, %and3A_638 : vector<16x1024xi1>
    %select_n3A_640 = arith.select %or3A_639, %slice3A_632, %slice3A_631 : vector<16x1024xi1>, vector<16x1024xf32>
    %select_n3A_641 = arith.select %or3A_639, %slice3A_634, %slice3A_633 : vector<16x1024xi1>, vector<16x1024xi32>
    %slice3A_642 = vector.extract_strided_slice %select_n3A_640 {offsets = [0, 0], sizes = [8, 1024], strides = [1, 1]} : vector<16x1024xf32> to vector<8x1024xf32>
    %slice3A_643 = vector.extract_strided_slice %select_n3A_640 {offsets = [8, 0], sizes = [8, 1024], strides = [1, 1]} : vector<16x1024xf32> to vector<8x1024xf32>
    %slice3A_644 = vector.extract_strided_slice %select_n3A_641 {offsets = [0, 0], sizes = [8, 1024], strides = [1, 1]} : vector<16x1024xi32> to vector<8x1024xi32>
    %slice3A_645 = vector.extract_strided_slice %select_n3A_641 {offsets = [8, 0], sizes = [8, 1024], strides = [1, 1]} : vector<16x1024xi32> to vector<8x1024xi32>
    %lt3A_646 = arith.cmpf olt, %slice3A_643, %slice3A_642 : vector<8x1024xf32>
    %eq3A_647 = arith.cmpf oeq, %slice3A_643, %slice3A_642 : vector<8x1024xf32>
    %lt3A_648 = arith.cmpi slt, %slice3A_645, %slice3A_644 : vector<8x1024xi32>
    %and3A_649 = arith.andi %eq3A_647, %lt3A_648 : vector<8x1024xi1>
    %or3A_650 = arith.ori %lt3A_646, %and3A_649 : vector<8x1024xi1>
    %select_n3A_651 = arith.select %or3A_650, %slice3A_643, %slice3A_642 : vector<8x1024xi1>, vector<8x1024xf32>
    %select_n3A_652 = arith.select %or3A_650, %slice3A_645, %slice3A_644 : vector<8x1024xi1>, vector<8x1024xi32>
    %slice3A_653 = vector.extract_strided_slice %select_n3A_651 {offsets = [0, 0], sizes = [4, 1024], strides = [1, 1]} : vector<8x1024xf32> to vector<4x1024xf32>
    %slice3A_654 = vector.extract_strided_slice %select_n3A_651 {offsets = [4, 0], sizes = [4, 1024], strides = [1, 1]} : vector<8x1024xf32> to vector<4x1024xf32>
    %slice3A_655 = vector.extract_strided_slice %select_n3A_652 {offsets = [0, 0], sizes = [4, 1024], strides = [1, 1]} : vector<8x1024xi32> to vector<4x1024xi32>
    %slice3A_656 = vector.extract_strided_slice %select_n3A_652 {offsets = [4, 0], sizes = [4, 1024], strides = [1, 1]} : vector<8x1024xi32> to vector<4x1024xi32>
    %lt3A_657 = arith.cmpf olt, %slice3A_654, %slice3A_653 : vector<4x1024xf32>
    %eq3A_658 = arith.cmpf oeq, %slice3A_654, %slice3A_653 : vector<4x1024xf32>
    %lt3A_659 = arith.cmpi slt, %slice3A_656, %slice3A_655 : vector<4x1024xi32>
    %and3A_660 = arith.andi %eq3A_658, %lt3A_659 : vector<4x1024xi1>
    %or3A_661 = arith.ori %lt3A_657, %and3A_660 : vector<4x1024xi1>
    %select_n3A_662 = arith.select %or3A_661, %slice3A_654, %slice3A_653 : vector<4x1024xi1>, vector<4x1024xf32>
    %select_n3A_663 = arith.select %or3A_661, %slice3A_656, %slice3A_655 : vector<4x1024xi1>, vector<4x1024xi32>
    %slice3A_664 = vector.extract_strided_slice %select_n3A_662 {offsets = [0, 0], sizes = [2, 1024], strides = [1, 1]} : vector<4x1024xf32> to vector<2x1024xf32>
    %slice3A_665 = vector.extract_strided_slice %select_n3A_662 {offsets = [2, 0], sizes = [2, 1024], strides = [1, 1]} : vector<4x1024xf32> to vector<2x1024xf32>
    %slice3A_666 = vector.extract_strided_slice %select_n3A_663 {offsets = [0, 0], sizes = [2, 1024], strides = [1, 1]} : vector<4x1024xi32> to vector<2x1024xi32>
    %slice3A_667 = vector.extract_strided_slice %select_n3A_663 {offsets = [2, 0], sizes = [2, 1024], strides = [1, 1]} : vector<4x1024xi32> to vector<2x1024xi32>
    %lt3A_668 = arith.cmpf olt, %slice3A_665, %slice3A_664 : vector<2x1024xf32>
    %eq3A_669 = arith.cmpf oeq, %slice3A_665, %slice3A_664 : vector<2x1024xf32>
    %lt3A_670 = arith.cmpi slt, %slice3A_667, %slice3A_666 : vector<2x1024xi32>
    %and3A_671 = arith.andi %eq3A_669, %lt3A_670 : vector<2x1024xi1>
    %or3A_672 = arith.ori %lt3A_668, %and3A_671 : vector<2x1024xi1>
    %select_n3A_673 = arith.select %or3A_672, %slice3A_665, %slice3A_664 : vector<2x1024xi1>, vector<2x1024xf32>
    %select_n3A_674 = arith.select %or3A_672, %slice3A_667, %slice3A_666 : vector<2x1024xi1>, vector<2x1024xi32>
    %slice3A_675 = vector.extract_strided_slice %select_n3A_673 {offsets = [0, 0], sizes = [1, 1024], strides = [1, 1]} : vector<2x1024xf32> to vector<1x1024xf32>
    %slice3A_676 = vector.extract_strided_slice %select_n3A_673 {offsets = [1, 0], sizes = [1, 1024], strides = [1, 1]} : vector<2x1024xf32> to vector<1x1024xf32>
    %slice3A_677 = vector.extract_strided_slice %select_n3A_674 {offsets = [0, 0], sizes = [1, 1024], strides = [1, 1]} : vector<2x1024xi32> to vector<1x1024xi32>
    %slice3A_678 = vector.extract_strided_slice %select_n3A_674 {offsets = [1, 0], sizes = [1, 1024], strides = [1, 1]} : vector<2x1024xi32> to vector<1x1024xi32>
    %lt3A_679 = arith.cmpf olt, %slice3A_676, %slice3A_675 : vector<1x1024xf32>
    %eq3A_680 = arith.cmpf oeq, %slice3A_676, %slice3A_675 : vector<1x1024xf32>
    %lt3A_681 = arith.cmpi slt, %slice3A_678, %slice3A_677 : vector<1x1024xi32>
    %and3A_682 = arith.andi %eq3A_680, %lt3A_681 : vector<1x1024xi1>
    %or3A_683 = arith.ori %lt3A_679, %and3A_682 : vector<1x1024xi1>
    %select_n3A_684 = arith.select %or3A_683, %slice3A_676, %slice3A_675 : vector<1x1024xi1>, vector<1x1024xf32>
    %select_n3A_685 = arith.select %or3A_683, %slice3A_678, %slice3A_677 : vector<1x1024xi1>, vector<1x1024xi32>
    %squeeze3A_686 = vector.shape_cast %select_n3A_684 : vector<1x1024xf32> to vector<1024xf32>
    %squeeze3A_687 = vector.shape_cast %select_n3A_685 : vector<1x1024xi32> to vector<1024xi32>
    %lt3A_688 = arith.cmpf olt, %squeeze3A_686, %select_n3A_550 : vector<1024xf32>
    %select_n3A_689 = arith.select %lt3A_688, %squeeze3A_687, %select_n3A_549 : vector<1024xi1>, vector<1024xi32>
    %select_n3A_690 = arith.select %lt3A_688, %squeeze3A_686, %select_n3A_550 : vector<1024xi1>, vector<1024xf32>
    %get3A_691 = arith.constant 5120 : index
    %get3A_692 = arith.constant 0 : index
    %get3A_693 = vector.load %arg2[%get3A_691, %get3A_692] : memref<8192x256xf32, #tpu.memory_space<vmem>>, vector<1024x256xf32>
    %mul3A_694 = arith.mulf %get3A_693, %get3A_693 : vector<1024x256xf32>
    %slice3A_695 = vector.extract_strided_slice %mul3A_694 {offsets = [0, 0], sizes = [1024, 128], strides = [1, 1]} : vector<1024x256xf32> to vector<1024x128xf32>
    %slice3A_696 = vector.extract_strided_slice %mul3A_694 {offsets = [0, 128], sizes = [1024, 128], strides = [1, 1]} : vector<1024x256xf32> to vector<1024x128xf32>
    %add3A_697 = arith.addf %slice3A_695, %slice3A_696 : vector<1024x128xf32>
    %reduce_sum3A_698 = arith.constant dense<0.000000e+00> : vector<1024xf32>
    %reduce_sum3A_699 = vector.multi_reduction <add>, %add3A_697, %reduce_sum3A_698 [1] : vector<1024x128xf32> to vector<1024xf32>
    %convert_element_type3A_700 = arith.truncf %get3A_693 : vector<1024x256xf32> to vector<1024x256xbf16>
    %dot_general3A_701 = arith.constant dense<0.000000e+00> : vector<1024x1024xf32>
    %dot_general3A_702 = tpu.matmul %convert_element_type3A_700, %convert_element_type3A, %dot_general3A_701 {dimension_numbers = #tpu.dot_dimension_numbers<[1], [1], [0], [0], [0, 0, 1, 0], [], []>, transpose_lhs_hint = false} : vector<1024x256xbf16>, vector<1024x256xbf16>, vector<1024x1024xf32> -> vector<1024x1024xf32>
    %broadcast_in_dim3A_703 = vector.shape_cast %reduce_sum3A_699 : vector<1024xf32> to vector<1024x1xf32>
    %broadcast_in_dim3A_704 = vector.shape_cast %reduce_sum3A_3 : vector<1024xf32> to vector<1x1024xf32>
    %add3A_705 = vector.broadcast %broadcast_in_dim3A_703 : vector<1024x1xf32> to vector<1024x1024xf32>
    %add3A_706 = vector.broadcast %broadcast_in_dim3A_704 : vector<1x1024xf32> to vector<1024x1024xf32>
    %add3A_707 = arith.addf %add3A_705, %add3A_706 : vector<1024x1024xf32>
    %mul3A_708 = arith.constant 2.000000e+00 : f32
    %mul3A_709 = vector.broadcast %mul3A_708 : f32 to vector<1024x1024xf32>
    %mul3A_710 = arith.mulf %mul3A_709, %dot_general3A_702 : vector<1024x1024xf32>
    %sub3A_711 = arith.subf %add3A_707, %mul3A_710 : vector<1024x1024xf32>
    %iota3A_712 = tpu.iota {dimensions = array<i32: 0>} : vector<1024x1024xi32>
    %add3A_713 = arith.constant 5120 : i32
    %add3A_714 = vector.broadcast %add3A_713 : i32 to vector<1024x1024xi32>
    %add3A_715 = arith.addi %iota3A_712, %add3A_714 : vector<1024x1024xi32>
    %slice3A_716 = vector.extract_strided_slice %sub3A_711 {offsets = [0, 0], sizes = [512, 1024], strides = [1, 1]} : vector<1024x1024xf32> to vector<512x1024xf32>
    %slice3A_717 = vector.extract_strided_slice %sub3A_711 {offsets = [512, 0], sizes = [512, 1024], strides = [1, 1]} : vector<1024x1024xf32> to vector<512x1024xf32>
    %slice3A_718 = vector.extract_strided_slice %add3A_715 {offsets = [0, 0], sizes = [512, 1024], strides = [1, 1]} : vector<1024x1024xi32> to vector<512x1024xi32>
    %slice3A_719 = vector.extract_strided_slice %add3A_715 {offsets = [512, 0], sizes = [512, 1024], strides = [1, 1]} : vector<1024x1024xi32> to vector<512x1024xi32>
    %lt3A_720 = arith.cmpf olt, %slice3A_717, %slice3A_716 : vector<512x1024xf32>
    %eq3A_721 = arith.cmpf oeq, %slice3A_717, %slice3A_716 : vector<512x1024xf32>
    %lt3A_722 = arith.cmpi slt, %slice3A_719, %slice3A_718 : vector<512x1024xi32>
    %and3A_723 = arith.andi %eq3A_721, %lt3A_722 : vector<512x1024xi1>
    %or3A_724 = arith.ori %lt3A_720, %and3A_723 : vector<512x1024xi1>
    %select_n3A_725 = arith.select %or3A_724, %slice3A_717, %slice3A_716 : vector<512x1024xi1>, vector<512x1024xf32>
    %select_n3A_726 = arith.select %or3A_724, %slice3A_719, %slice3A_718 : vector<512x1024xi1>, vector<512x1024xi32>
    %slice3A_727 = vector.extract_strided_slice %select_n3A_725 {offsets = [0, 0], sizes = [256, 1024], strides = [1, 1]} : vector<512x1024xf32> to vector<256x1024xf32>
    %slice3A_728 = vector.extract_strided_slice %select_n3A_725 {offsets = [256, 0], sizes = [256, 1024], strides = [1, 1]} : vector<512x1024xf32> to vector<256x1024xf32>
    %slice3A_729 = vector.extract_strided_slice %select_n3A_726 {offsets = [0, 0], sizes = [256, 1024], strides = [1, 1]} : vector<512x1024xi32> to vector<256x1024xi32>
    %slice3A_730 = vector.extract_strided_slice %select_n3A_726 {offsets = [256, 0], sizes = [256, 1024], strides = [1, 1]} : vector<512x1024xi32> to vector<256x1024xi32>
    %lt3A_731 = arith.cmpf olt, %slice3A_728, %slice3A_727 : vector<256x1024xf32>
    %eq3A_732 = arith.cmpf oeq, %slice3A_728, %slice3A_727 : vector<256x1024xf32>
    %lt3A_733 = arith.cmpi slt, %slice3A_730, %slice3A_729 : vector<256x1024xi32>
    %and3A_734 = arith.andi %eq3A_732, %lt3A_733 : vector<256x1024xi1>
    %or3A_735 = arith.ori %lt3A_731, %and3A_734 : vector<256x1024xi1>
    %select_n3A_736 = arith.select %or3A_735, %slice3A_728, %slice3A_727 : vector<256x1024xi1>, vector<256x1024xf32>
    %select_n3A_737 = arith.select %or3A_735, %slice3A_730, %slice3A_729 : vector<256x1024xi1>, vector<256x1024xi32>
    %slice3A_738 = vector.extract_strided_slice %select_n3A_736 {offsets = [0, 0], sizes = [128, 1024], strides = [1, 1]} : vector<256x1024xf32> to vector<128x1024xf32>
    %slice3A_739 = vector.extract_strided_slice %select_n3A_736 {offsets = [128, 0], sizes = [128, 1024], strides = [1, 1]} : vector<256x1024xf32> to vector<128x1024xf32>
    %slice3A_740 = vector.extract_strided_slice %select_n3A_737 {offsets = [0, 0], sizes = [128, 1024], strides = [1, 1]} : vector<256x1024xi32> to vector<128x1024xi32>
    %slice3A_741 = vector.extract_strided_slice %select_n3A_737 {offsets = [128, 0], sizes = [128, 1024], strides = [1, 1]} : vector<256x1024xi32> to vector<128x1024xi32>
    %lt3A_742 = arith.cmpf olt, %slice3A_739, %slice3A_738 : vector<128x1024xf32>
    %eq3A_743 = arith.cmpf oeq, %slice3A_739, %slice3A_738 : vector<128x1024xf32>
    %lt3A_744 = arith.cmpi slt, %slice3A_741, %slice3A_740 : vector<128x1024xi32>
    %and3A_745 = arith.andi %eq3A_743, %lt3A_744 : vector<128x1024xi1>
    %or3A_746 = arith.ori %lt3A_742, %and3A_745 : vector<128x1024xi1>
    %select_n3A_747 = arith.select %or3A_746, %slice3A_739, %slice3A_738 : vector<128x1024xi1>, vector<128x1024xf32>
    %select_n3A_748 = arith.select %or3A_746, %slice3A_741, %slice3A_740 : vector<128x1024xi1>, vector<128x1024xi32>
    %slice3A_749 = vector.extract_strided_slice %select_n3A_747 {offsets = [0, 0], sizes = [64, 1024], strides = [1, 1]} : vector<128x1024xf32> to vector<64x1024xf32>
    %slice3A_750 = vector.extract_strided_slice %select_n3A_747 {offsets = [64, 0], sizes = [64, 1024], strides = [1, 1]} : vector<128x1024xf32> to vector<64x1024xf32>
    %slice3A_751 = vector.extract_strided_slice %select_n3A_748 {offsets = [0, 0], sizes = [64, 1024], strides = [1, 1]} : vector<128x1024xi32> to vector<64x1024xi32>
    %slice3A_752 = vector.extract_strided_slice %select_n3A_748 {offsets = [64, 0], sizes = [64, 1024], strides = [1, 1]} : vector<128x1024xi32> to vector<64x1024xi32>
    %lt3A_753 = arith.cmpf olt, %slice3A_750, %slice3A_749 : vector<64x1024xf32>
    %eq3A_754 = arith.cmpf oeq, %slice3A_750, %slice3A_749 : vector<64x1024xf32>
    %lt3A_755 = arith.cmpi slt, %slice3A_752, %slice3A_751 : vector<64x1024xi32>
    %and3A_756 = arith.andi %eq3A_754, %lt3A_755 : vector<64x1024xi1>
    %or3A_757 = arith.ori %lt3A_753, %and3A_756 : vector<64x1024xi1>
    %select_n3A_758 = arith.select %or3A_757, %slice3A_750, %slice3A_749 : vector<64x1024xi1>, vector<64x1024xf32>
    %select_n3A_759 = arith.select %or3A_757, %slice3A_752, %slice3A_751 : vector<64x1024xi1>, vector<64x1024xi32>
    %slice3A_760 = vector.extract_strided_slice %select_n3A_758 {offsets = [0, 0], sizes = [32, 1024], strides = [1, 1]} : vector<64x1024xf32> to vector<32x1024xf32>
    %slice3A_761 = vector.extract_strided_slice %select_n3A_758 {offsets = [32, 0], sizes = [32, 1024], strides = [1, 1]} : vector<64x1024xf32> to vector<32x1024xf32>
    %slice3A_762 = vector.extract_strided_slice %select_n3A_759 {offsets = [0, 0], sizes = [32, 1024], strides = [1, 1]} : vector<64x1024xi32> to vector<32x1024xi32>
    %slice3A_763 = vector.extract_strided_slice %select_n3A_759 {offsets = [32, 0], sizes = [32, 1024], strides = [1, 1]} : vector<64x1024xi32> to vector<32x1024xi32>
    %lt3A_764 = arith.cmpf olt, %slice3A_761, %slice3A_760 : vector<32x1024xf32>
    %eq3A_765 = arith.cmpf oeq, %slice3A_761, %slice3A_760 : vector<32x1024xf32>
    %lt3A_766 = arith.cmpi slt, %slice3A_763, %slice3A_762 : vector<32x1024xi32>
    %and3A_767 = arith.andi %eq3A_765, %lt3A_766 : vector<32x1024xi1>
    %or3A_768 = arith.ori %lt3A_764, %and3A_767 : vector<32x1024xi1>
    %select_n3A_769 = arith.select %or3A_768, %slice3A_761, %slice3A_760 : vector<32x1024xi1>, vector<32x1024xf32>
    %select_n3A_770 = arith.select %or3A_768, %slice3A_763, %slice3A_762 : vector<32x1024xi1>, vector<32x1024xi32>
    %slice3A_771 = vector.extract_strided_slice %select_n3A_769 {offsets = [0, 0], sizes = [16, 1024], strides = [1, 1]} : vector<32x1024xf32> to vector<16x1024xf32>
    %slice3A_772 = vector.extract_strided_slice %select_n3A_769 {offsets = [16, 0], sizes = [16, 1024], strides = [1, 1]} : vector<32x1024xf32> to vector<16x1024xf32>
    %slice3A_773 = vector.extract_strided_slice %select_n3A_770 {offsets = [0, 0], sizes = [16, 1024], strides = [1, 1]} : vector<32x1024xi32> to vector<16x1024xi32>
    %slice3A_774 = vector.extract_strided_slice %select_n3A_770 {offsets = [16, 0], sizes = [16, 1024], strides = [1, 1]} : vector<32x1024xi32> to vector<16x1024xi32>
    %lt3A_775 = arith.cmpf olt, %slice3A_772, %slice3A_771 : vector<16x1024xf32>
    %eq3A_776 = arith.cmpf oeq, %slice3A_772, %slice3A_771 : vector<16x1024xf32>
    %lt3A_777 = arith.cmpi slt, %slice3A_774, %slice3A_773 : vector<16x1024xi32>
    %and3A_778 = arith.andi %eq3A_776, %lt3A_777 : vector<16x1024xi1>
    %or3A_779 = arith.ori %lt3A_775, %and3A_778 : vector<16x1024xi1>
    %select_n3A_780 = arith.select %or3A_779, %slice3A_772, %slice3A_771 : vector<16x1024xi1>, vector<16x1024xf32>
    %select_n3A_781 = arith.select %or3A_779, %slice3A_774, %slice3A_773 : vector<16x1024xi1>, vector<16x1024xi32>
    %slice3A_782 = vector.extract_strided_slice %select_n3A_780 {offsets = [0, 0], sizes = [8, 1024], strides = [1, 1]} : vector<16x1024xf32> to vector<8x1024xf32>
    %slice3A_783 = vector.extract_strided_slice %select_n3A_780 {offsets = [8, 0], sizes = [8, 1024], strides = [1, 1]} : vector<16x1024xf32> to vector<8x1024xf32>
    %slice3A_784 = vector.extract_strided_slice %select_n3A_781 {offsets = [0, 0], sizes = [8, 1024], strides = [1, 1]} : vector<16x1024xi32> to vector<8x1024xi32>
    %slice3A_785 = vector.extract_strided_slice %select_n3A_781 {offsets = [8, 0], sizes = [8, 1024], strides = [1, 1]} : vector<16x1024xi32> to vector<8x1024xi32>
    %lt3A_786 = arith.cmpf olt, %slice3A_783, %slice3A_782 : vector<8x1024xf32>
    %eq3A_787 = arith.cmpf oeq, %slice3A_783, %slice3A_782 : vector<8x1024xf32>
    %lt3A_788 = arith.cmpi slt, %slice3A_785, %slice3A_784 : vector<8x1024xi32>
    %and3A_789 = arith.andi %eq3A_787, %lt3A_788 : vector<8x1024xi1>
    %or3A_790 = arith.ori %lt3A_786, %and3A_789 : vector<8x1024xi1>
    %select_n3A_791 = arith.select %or3A_790, %slice3A_783, %slice3A_782 : vector<8x1024xi1>, vector<8x1024xf32>
    %select_n3A_792 = arith.select %or3A_790, %slice3A_785, %slice3A_784 : vector<8x1024xi1>, vector<8x1024xi32>
    %slice3A_793 = vector.extract_strided_slice %select_n3A_791 {offsets = [0, 0], sizes = [4, 1024], strides = [1, 1]} : vector<8x1024xf32> to vector<4x1024xf32>
    %slice3A_794 = vector.extract_strided_slice %select_n3A_791 {offsets = [4, 0], sizes = [4, 1024], strides = [1, 1]} : vector<8x1024xf32> to vector<4x1024xf32>
    %slice3A_795 = vector.extract_strided_slice %select_n3A_792 {offsets = [0, 0], sizes = [4, 1024], strides = [1, 1]} : vector<8x1024xi32> to vector<4x1024xi32>
    %slice3A_796 = vector.extract_strided_slice %select_n3A_792 {offsets = [4, 0], sizes = [4, 1024], strides = [1, 1]} : vector<8x1024xi32> to vector<4x1024xi32>
    %lt3A_797 = arith.cmpf olt, %slice3A_794, %slice3A_793 : vector<4x1024xf32>
    %eq3A_798 = arith.cmpf oeq, %slice3A_794, %slice3A_793 : vector<4x1024xf32>
    %lt3A_799 = arith.cmpi slt, %slice3A_796, %slice3A_795 : vector<4x1024xi32>
    %and3A_800 = arith.andi %eq3A_798, %lt3A_799 : vector<4x1024xi1>
    %or3A_801 = arith.ori %lt3A_797, %and3A_800 : vector<4x1024xi1>
    %select_n3A_802 = arith.select %or3A_801, %slice3A_794, %slice3A_793 : vector<4x1024xi1>, vector<4x1024xf32>
    %select_n3A_803 = arith.select %or3A_801, %slice3A_796, %slice3A_795 : vector<4x1024xi1>, vector<4x1024xi32>
    %slice3A_804 = vector.extract_strided_slice %select_n3A_802 {offsets = [0, 0], sizes = [2, 1024], strides = [1, 1]} : vector<4x1024xf32> to vector<2x1024xf32>
    %slice3A_805 = vector.extract_strided_slice %select_n3A_802 {offsets = [2, 0], sizes = [2, 1024], strides = [1, 1]} : vector<4x1024xf32> to vector<2x1024xf32>
    %slice3A_806 = vector.extract_strided_slice %select_n3A_803 {offsets = [0, 0], sizes = [2, 1024], strides = [1, 1]} : vector<4x1024xi32> to vector<2x1024xi32>
    %slice3A_807 = vector.extract_strided_slice %select_n3A_803 {offsets = [2, 0], sizes = [2, 1024], strides = [1, 1]} : vector<4x1024xi32> to vector<2x1024xi32>
    %lt3A_808 = arith.cmpf olt, %slice3A_805, %slice3A_804 : vector<2x1024xf32>
    %eq3A_809 = arith.cmpf oeq, %slice3A_805, %slice3A_804 : vector<2x1024xf32>
    %lt3A_810 = arith.cmpi slt, %slice3A_807, %slice3A_806 : vector<2x1024xi32>
    %and3A_811 = arith.andi %eq3A_809, %lt3A_810 : vector<2x1024xi1>
    %or3A_812 = arith.ori %lt3A_808, %and3A_811 : vector<2x1024xi1>
    %select_n3A_813 = arith.select %or3A_812, %slice3A_805, %slice3A_804 : vector<2x1024xi1>, vector<2x1024xf32>
    %select_n3A_814 = arith.select %or3A_812, %slice3A_807, %slice3A_806 : vector<2x1024xi1>, vector<2x1024xi32>
    %slice3A_815 = vector.extract_strided_slice %select_n3A_813 {offsets = [0, 0], sizes = [1, 1024], strides = [1, 1]} : vector<2x1024xf32> to vector<1x1024xf32>
    %slice3A_816 = vector.extract_strided_slice %select_n3A_813 {offsets = [1, 0], sizes = [1, 1024], strides = [1, 1]} : vector<2x1024xf32> to vector<1x1024xf32>
    %slice3A_817 = vector.extract_strided_slice %select_n3A_814 {offsets = [0, 0], sizes = [1, 1024], strides = [1, 1]} : vector<2x1024xi32> to vector<1x1024xi32>
    %slice3A_818 = vector.extract_strided_slice %select_n3A_814 {offsets = [1, 0], sizes = [1, 1024], strides = [1, 1]} : vector<2x1024xi32> to vector<1x1024xi32>
    %lt3A_819 = arith.cmpf olt, %slice3A_816, %slice3A_815 : vector<1x1024xf32>
    %eq3A_820 = arith.cmpf oeq, %slice3A_816, %slice3A_815 : vector<1x1024xf32>
    %lt3A_821 = arith.cmpi slt, %slice3A_818, %slice3A_817 : vector<1x1024xi32>
    %and3A_822 = arith.andi %eq3A_820, %lt3A_821 : vector<1x1024xi1>
    %or3A_823 = arith.ori %lt3A_819, %and3A_822 : vector<1x1024xi1>
    %select_n3A_824 = arith.select %or3A_823, %slice3A_816, %slice3A_815 : vector<1x1024xi1>, vector<1x1024xf32>
    %select_n3A_825 = arith.select %or3A_823, %slice3A_818, %slice3A_817 : vector<1x1024xi1>, vector<1x1024xi32>
    %squeeze3A_826 = vector.shape_cast %select_n3A_824 : vector<1x1024xf32> to vector<1024xf32>
    %squeeze3A_827 = vector.shape_cast %select_n3A_825 : vector<1x1024xi32> to vector<1024xi32>
    %lt3A_828 = arith.cmpf olt, %squeeze3A_826, %select_n3A_690 : vector<1024xf32>
    %select_n3A_829 = arith.select %lt3A_828, %squeeze3A_827, %select_n3A_689 : vector<1024xi1>, vector<1024xi32>
    %select_n3A_830 = arith.select %lt3A_828, %squeeze3A_826, %select_n3A_690 : vector<1024xi1>, vector<1024xf32>
    %get3A_831 = arith.constant 6144 : index
    %get3A_832 = arith.constant 0 : index
    %get3A_833 = vector.load %arg2[%get3A_831, %get3A_832] : memref<8192x256xf32, #tpu.memory_space<vmem>>, vector<1024x256xf32>
    %mul3A_834 = arith.mulf %get3A_833, %get3A_833 : vector<1024x256xf32>
    %slice3A_835 = vector.extract_strided_slice %mul3A_834 {offsets = [0, 0], sizes = [1024, 128], strides = [1, 1]} : vector<1024x256xf32> to vector<1024x128xf32>
    %slice3A_836 = vector.extract_strided_slice %mul3A_834 {offsets = [0, 128], sizes = [1024, 128], strides = [1, 1]} : vector<1024x256xf32> to vector<1024x128xf32>
    %add3A_837 = arith.addf %slice3A_835, %slice3A_836 : vector<1024x128xf32>
    %reduce_sum3A_838 = arith.constant dense<0.000000e+00> : vector<1024xf32>
    %reduce_sum3A_839 = vector.multi_reduction <add>, %add3A_837, %reduce_sum3A_838 [1] : vector<1024x128xf32> to vector<1024xf32>
    %convert_element_type3A_840 = arith.truncf %get3A_833 : vector<1024x256xf32> to vector<1024x256xbf16>
    %dot_general3A_841 = arith.constant dense<0.000000e+00> : vector<1024x1024xf32>
    %dot_general3A_842 = tpu.matmul %convert_element_type3A_840, %convert_element_type3A, %dot_general3A_841 {dimension_numbers = #tpu.dot_dimension_numbers<[1], [1], [0], [0], [0, 0, 1, 0], [], []>, transpose_lhs_hint = false} : vector<1024x256xbf16>, vector<1024x256xbf16>, vector<1024x1024xf32> -> vector<1024x1024xf32>
    %broadcast_in_dim3A_843 = vector.shape_cast %reduce_sum3A_839 : vector<1024xf32> to vector<1024x1xf32>
    %broadcast_in_dim3A_844 = vector.shape_cast %reduce_sum3A_3 : vector<1024xf32> to vector<1x1024xf32>
    %add3A_845 = vector.broadcast %broadcast_in_dim3A_843 : vector<1024x1xf32> to vector<1024x1024xf32>
    %add3A_846 = vector.broadcast %broadcast_in_dim3A_844 : vector<1x1024xf32> to vector<1024x1024xf32>
    %add3A_847 = arith.addf %add3A_845, %add3A_846 : vector<1024x1024xf32>
    %mul3A_848 = arith.constant 2.000000e+00 : f32
    %mul3A_849 = vector.broadcast %mul3A_848 : f32 to vector<1024x1024xf32>
    %mul3A_850 = arith.mulf %mul3A_849, %dot_general3A_842 : vector<1024x1024xf32>
    %sub3A_851 = arith.subf %add3A_847, %mul3A_850 : vector<1024x1024xf32>
    %iota3A_852 = tpu.iota {dimensions = array<i32: 0>} : vector<1024x1024xi32>
    %add3A_853 = arith.constant 6144 : i32
    %add3A_854 = vector.broadcast %add3A_853 : i32 to vector<1024x1024xi32>
    %add3A_855 = arith.addi %iota3A_852, %add3A_854 : vector<1024x1024xi32>
    %slice3A_856 = vector.extract_strided_slice %sub3A_851 {offsets = [0, 0], sizes = [512, 1024], strides = [1, 1]} : vector<1024x1024xf32> to vector<512x1024xf32>
    %slice3A_857 = vector.extract_strided_slice %sub3A_851 {offsets = [512, 0], sizes = [512, 1024], strides = [1, 1]} : vector<1024x1024xf32> to vector<512x1024xf32>
    %slice3A_858 = vector.extract_strided_slice %add3A_855 {offsets = [0, 0], sizes = [512, 1024], strides = [1, 1]} : vector<1024x1024xi32> to vector<512x1024xi32>
    %slice3A_859 = vector.extract_strided_slice %add3A_855 {offsets = [512, 0], sizes = [512, 1024], strides = [1, 1]} : vector<1024x1024xi32> to vector<512x1024xi32>
    %lt3A_860 = arith.cmpf olt, %slice3A_857, %slice3A_856 : vector<512x1024xf32>
    %eq3A_861 = arith.cmpf oeq, %slice3A_857, %slice3A_856 : vector<512x1024xf32>
    %lt3A_862 = arith.cmpi slt, %slice3A_859, %slice3A_858 : vector<512x1024xi32>
    %and3A_863 = arith.andi %eq3A_861, %lt3A_862 : vector<512x1024xi1>
    %or3A_864 = arith.ori %lt3A_860, %and3A_863 : vector<512x1024xi1>
    %select_n3A_865 = arith.select %or3A_864, %slice3A_857, %slice3A_856 : vector<512x1024xi1>, vector<512x1024xf32>
    %select_n3A_866 = arith.select %or3A_864, %slice3A_859, %slice3A_858 : vector<512x1024xi1>, vector<512x1024xi32>
    %slice3A_867 = vector.extract_strided_slice %select_n3A_865 {offsets = [0, 0], sizes = [256, 1024], strides = [1, 1]} : vector<512x1024xf32> to vector<256x1024xf32>
    %slice3A_868 = vector.extract_strided_slice %select_n3A_865 {offsets = [256, 0], sizes = [256, 1024], strides = [1, 1]} : vector<512x1024xf32> to vector<256x1024xf32>
    %slice3A_869 = vector.extract_strided_slice %select_n3A_866 {offsets = [0, 0], sizes = [256, 1024], strides = [1, 1]} : vector<512x1024xi32> to vector<256x1024xi32>
    %slice3A_870 = vector.extract_strided_slice %select_n3A_866 {offsets = [256, 0], sizes = [256, 1024], strides = [1, 1]} : vector<512x1024xi32> to vector<256x1024xi32>
    %lt3A_871 = arith.cmpf olt, %slice3A_868, %slice3A_867 : vector<256x1024xf32>
    %eq3A_872 = arith.cmpf oeq, %slice3A_868, %slice3A_867 : vector<256x1024xf32>
    %lt3A_873 = arith.cmpi slt, %slice3A_870, %slice3A_869 : vector<256x1024xi32>
    %and3A_874 = arith.andi %eq3A_872, %lt3A_873 : vector<256x1024xi1>
    %or3A_875 = arith.ori %lt3A_871, %and3A_874 : vector<256x1024xi1>
    %select_n3A_876 = arith.select %or3A_875, %slice3A_868, %slice3A_867 : vector<256x1024xi1>, vector<256x1024xf32>
    %select_n3A_877 = arith.select %or3A_875, %slice3A_870, %slice3A_869 : vector<256x1024xi1>, vector<256x1024xi32>
    %slice3A_878 = vector.extract_strided_slice %select_n3A_876 {offsets = [0, 0], sizes = [128, 1024], strides = [1, 1]} : vector<256x1024xf32> to vector<128x1024xf32>
    %slice3A_879 = vector.extract_strided_slice %select_n3A_876 {offsets = [128, 0], sizes = [128, 1024], strides = [1, 1]} : vector<256x1024xf32> to vector<128x1024xf32>
    %slice3A_880 = vector.extract_strided_slice %select_n3A_877 {offsets = [0, 0], sizes = [128, 1024], strides = [1, 1]} : vector<256x1024xi32> to vector<128x1024xi32>
    %slice3A_881 = vector.extract_strided_slice %select_n3A_877 {offsets = [128, 0], sizes = [128, 1024], strides = [1, 1]} : vector<256x1024xi32> to vector<128x1024xi32>
    %lt3A_882 = arith.cmpf olt, %slice3A_879, %slice3A_878 : vector<128x1024xf32>
    %eq3A_883 = arith.cmpf oeq, %slice3A_879, %slice3A_878 : vector<128x1024xf32>
    %lt3A_884 = arith.cmpi slt, %slice3A_881, %slice3A_880 : vector<128x1024xi32>
    %and3A_885 = arith.andi %eq3A_883, %lt3A_884 : vector<128x1024xi1>
    %or3A_886 = arith.ori %lt3A_882, %and3A_885 : vector<128x1024xi1>
    %select_n3A_887 = arith.select %or3A_886, %slice3A_879, %slice3A_878 : vector<128x1024xi1>, vector<128x1024xf32>
    %select_n3A_888 = arith.select %or3A_886, %slice3A_881, %slice3A_880 : vector<128x1024xi1>, vector<128x1024xi32>
    %slice3A_889 = vector.extract_strided_slice %select_n3A_887 {offsets = [0, 0], sizes = [64, 1024], strides = [1, 1]} : vector<128x1024xf32> to vector<64x1024xf32>
    %slice3A_890 = vector.extract_strided_slice %select_n3A_887 {offsets = [64, 0], sizes = [64, 1024], strides = [1, 1]} : vector<128x1024xf32> to vector<64x1024xf32>
    %slice3A_891 = vector.extract_strided_slice %select_n3A_888 {offsets = [0, 0], sizes = [64, 1024], strides = [1, 1]} : vector<128x1024xi32> to vector<64x1024xi32>
    %slice3A_892 = vector.extract_strided_slice %select_n3A_888 {offsets = [64, 0], sizes = [64, 1024], strides = [1, 1]} : vector<128x1024xi32> to vector<64x1024xi32>
    %lt3A_893 = arith.cmpf olt, %slice3A_890, %slice3A_889 : vector<64x1024xf32>
    %eq3A_894 = arith.cmpf oeq, %slice3A_890, %slice3A_889 : vector<64x1024xf32>
    %lt3A_895 = arith.cmpi slt, %slice3A_892, %slice3A_891 : vector<64x1024xi32>
    %and3A_896 = arith.andi %eq3A_894, %lt3A_895 : vector<64x1024xi1>
    %or3A_897 = arith.ori %lt3A_893, %and3A_896 : vector<64x1024xi1>
    %select_n3A_898 = arith.select %or3A_897, %slice3A_890, %slice3A_889 : vector<64x1024xi1>, vector<64x1024xf32>
    %select_n3A_899 = arith.select %or3A_897, %slice3A_892, %slice3A_891 : vector<64x1024xi1>, vector<64x1024xi32>
    %slice3A_900 = vector.extract_strided_slice %select_n3A_898 {offsets = [0, 0], sizes = [32, 1024], strides = [1, 1]} : vector<64x1024xf32> to vector<32x1024xf32>
    %slice3A_901 = vector.extract_strided_slice %select_n3A_898 {offsets = [32, 0], sizes = [32, 1024], strides = [1, 1]} : vector<64x1024xf32> to vector<32x1024xf32>
    %slice3A_902 = vector.extract_strided_slice %select_n3A_899 {offsets = [0, 0], sizes = [32, 1024], strides = [1, 1]} : vector<64x1024xi32> to vector<32x1024xi32>
    %slice3A_903 = vector.extract_strided_slice %select_n3A_899 {offsets = [32, 0], sizes = [32, 1024], strides = [1, 1]} : vector<64x1024xi32> to vector<32x1024xi32>
    %lt3A_904 = arith.cmpf olt, %slice3A_901, %slice3A_900 : vector<32x1024xf32>
    %eq3A_905 = arith.cmpf oeq, %slice3A_901, %slice3A_900 : vector<32x1024xf32>
    %lt3A_906 = arith.cmpi slt, %slice3A_903, %slice3A_902 : vector<32x1024xi32>
    %and3A_907 = arith.andi %eq3A_905, %lt3A_906 : vector<32x1024xi1>
    %or3A_908 = arith.ori %lt3A_904, %and3A_907 : vector<32x1024xi1>
    %select_n3A_909 = arith.select %or3A_908, %slice3A_901, %slice3A_900 : vector<32x1024xi1>, vector<32x1024xf32>
    %select_n3A_910 = arith.select %or3A_908, %slice3A_903, %slice3A_902 : vector<32x1024xi1>, vector<32x1024xi32>
    %slice3A_911 = vector.extract_strided_slice %select_n3A_909 {offsets = [0, 0], sizes = [16, 1024], strides = [1, 1]} : vector<32x1024xf32> to vector<16x1024xf32>
    %slice3A_912 = vector.extract_strided_slice %select_n3A_909 {offsets = [16, 0], sizes = [16, 1024], strides = [1, 1]} : vector<32x1024xf32> to vector<16x1024xf32>
    %slice3A_913 = vector.extract_strided_slice %select_n3A_910 {offsets = [0, 0], sizes = [16, 1024], strides = [1, 1]} : vector<32x1024xi32> to vector<16x1024xi32>
    %slice3A_914 = vector.extract_strided_slice %select_n3A_910 {offsets = [16, 0], sizes = [16, 1024], strides = [1, 1]} : vector<32x1024xi32> to vector<16x1024xi32>
    %lt3A_915 = arith.cmpf olt, %slice3A_912, %slice3A_911 : vector<16x1024xf32>
    %eq3A_916 = arith.cmpf oeq, %slice3A_912, %slice3A_911 : vector<16x1024xf32>
    %lt3A_917 = arith.cmpi slt, %slice3A_914, %slice3A_913 : vector<16x1024xi32>
    %and3A_918 = arith.andi %eq3A_916, %lt3A_917 : vector<16x1024xi1>
    %or3A_919 = arith.ori %lt3A_915, %and3A_918 : vector<16x1024xi1>
    %select_n3A_920 = arith.select %or3A_919, %slice3A_912, %slice3A_911 : vector<16x1024xi1>, vector<16x1024xf32>
    %select_n3A_921 = arith.select %or3A_919, %slice3A_914, %slice3A_913 : vector<16x1024xi1>, vector<16x1024xi32>
    %slice3A_922 = vector.extract_strided_slice %select_n3A_920 {offsets = [0, 0], sizes = [8, 1024], strides = [1, 1]} : vector<16x1024xf32> to vector<8x1024xf32>
    %slice3A_923 = vector.extract_strided_slice %select_n3A_920 {offsets = [8, 0], sizes = [8, 1024], strides = [1, 1]} : vector<16x1024xf32> to vector<8x1024xf32>
    %slice3A_924 = vector.extract_strided_slice %select_n3A_921 {offsets = [0, 0], sizes = [8, 1024], strides = [1, 1]} : vector<16x1024xi32> to vector<8x1024xi32>
    %slice3A_925 = vector.extract_strided_slice %select_n3A_921 {offsets = [8, 0], sizes = [8, 1024], strides = [1, 1]} : vector<16x1024xi32> to vector<8x1024xi32>
    %lt3A_926 = arith.cmpf olt, %slice3A_923, %slice3A_922 : vector<8x1024xf32>
    %eq3A_927 = arith.cmpf oeq, %slice3A_923, %slice3A_922 : vector<8x1024xf32>
    %lt3A_928 = arith.cmpi slt, %slice3A_925, %slice3A_924 : vector<8x1024xi32>
    %and3A_929 = arith.andi %eq3A_927, %lt3A_928 : vector<8x1024xi1>
    %or3A_930 = arith.ori %lt3A_926, %and3A_929 : vector<8x1024xi1>
    %select_n3A_931 = arith.select %or3A_930, %slice3A_923, %slice3A_922 : vector<8x1024xi1>, vector<8x1024xf32>
    %select_n3A_932 = arith.select %or3A_930, %slice3A_925, %slice3A_924 : vector<8x1024xi1>, vector<8x1024xi32>
    %slice3A_933 = vector.extract_strided_slice %select_n3A_931 {offsets = [0, 0], sizes = [4, 1024], strides = [1, 1]} : vector<8x1024xf32> to vector<4x1024xf32>
    %slice3A_934 = vector.extract_strided_slice %select_n3A_931 {offsets = [4, 0], sizes = [4, 1024], strides = [1, 1]} : vector<8x1024xf32> to vector<4x1024xf32>
    %slice3A_935 = vector.extract_strided_slice %select_n3A_932 {offsets = [0, 0], sizes = [4, 1024], strides = [1, 1]} : vector<8x1024xi32> to vector<4x1024xi32>
    %slice3A_936 = vector.extract_strided_slice %select_n3A_932 {offsets = [4, 0], sizes = [4, 1024], strides = [1, 1]} : vector<8x1024xi32> to vector<4x1024xi32>
    %lt3A_937 = arith.cmpf olt, %slice3A_934, %slice3A_933 : vector<4x1024xf32>
    %eq3A_938 = arith.cmpf oeq, %slice3A_934, %slice3A_933 : vector<4x1024xf32>
    %lt3A_939 = arith.cmpi slt, %slice3A_936, %slice3A_935 : vector<4x1024xi32>
    %and3A_940 = arith.andi %eq3A_938, %lt3A_939 : vector<4x1024xi1>
    %or3A_941 = arith.ori %lt3A_937, %and3A_940 : vector<4x1024xi1>
    %select_n3A_942 = arith.select %or3A_941, %slice3A_934, %slice3A_933 : vector<4x1024xi1>, vector<4x1024xf32>
    %select_n3A_943 = arith.select %or3A_941, %slice3A_936, %slice3A_935 : vector<4x1024xi1>, vector<4x1024xi32>
    %slice3A_944 = vector.extract_strided_slice %select_n3A_942 {offsets = [0, 0], sizes = [2, 1024], strides = [1, 1]} : vector<4x1024xf32> to vector<2x1024xf32>
    %slice3A_945 = vector.extract_strided_slice %select_n3A_942 {offsets = [2, 0], sizes = [2, 1024], strides = [1, 1]} : vector<4x1024xf32> to vector<2x1024xf32>
    %slice3A_946 = vector.extract_strided_slice %select_n3A_943 {offsets = [0, 0], sizes = [2, 1024], strides = [1, 1]} : vector<4x1024xi32> to vector<2x1024xi32>
    %slice3A_947 = vector.extract_strided_slice %select_n3A_943 {offsets = [2, 0], sizes = [2, 1024], strides = [1, 1]} : vector<4x1024xi32> to vector<2x1024xi32>
    %lt3A_948 = arith.cmpf olt, %slice3A_945, %slice3A_944 : vector<2x1024xf32>
    %eq3A_949 = arith.cmpf oeq, %slice3A_945, %slice3A_944 : vector<2x1024xf32>
    %lt3A_950 = arith.cmpi slt, %slice3A_947, %slice3A_946 : vector<2x1024xi32>
    %and3A_951 = arith.andi %eq3A_949, %lt3A_950 : vector<2x1024xi1>
    %or3A_952 = arith.ori %lt3A_948, %and3A_951 : vector<2x1024xi1>
    %select_n3A_953 = arith.select %or3A_952, %slice3A_945, %slice3A_944 : vector<2x1024xi1>, vector<2x1024xf32>
    %select_n3A_954 = arith.select %or3A_952, %slice3A_947, %slice3A_946 : vector<2x1024xi1>, vector<2x1024xi32>
    %slice3A_955 = vector.extract_strided_slice %select_n3A_953 {offsets = [0, 0], sizes = [1, 1024], strides = [1, 1]} : vector<2x1024xf32> to vector<1x1024xf32>
    %slice3A_956 = vector.extract_strided_slice %select_n3A_953 {offsets = [1, 0], sizes = [1, 1024], strides = [1, 1]} : vector<2x1024xf32> to vector<1x1024xf32>
    %slice3A_957 = vector.extract_strided_slice %select_n3A_954 {offsets = [0, 0], sizes = [1, 1024], strides = [1, 1]} : vector<2x1024xi32> to vector<1x1024xi32>
    %slice3A_958 = vector.extract_strided_slice %select_n3A_954 {offsets = [1, 0], sizes = [1, 1024], strides = [1, 1]} : vector<2x1024xi32> to vector<1x1024xi32>
    %lt3A_959 = arith.cmpf olt, %slice3A_956, %slice3A_955 : vector<1x1024xf32>
    %eq3A_960 = arith.cmpf oeq, %slice3A_956, %slice3A_955 : vector<1x1024xf32>
    %lt3A_961 = arith.cmpi slt, %slice3A_958, %slice3A_957 : vector<1x1024xi32>
    %and3A_962 = arith.andi %eq3A_960, %lt3A_961 : vector<1x1024xi1>
    %or3A_963 = arith.ori %lt3A_959, %and3A_962 : vector<1x1024xi1>
    %select_n3A_964 = arith.select %or3A_963, %slice3A_956, %slice3A_955 : vector<1x1024xi1>, vector<1x1024xf32>
    %select_n3A_965 = arith.select %or3A_963, %slice3A_958, %slice3A_957 : vector<1x1024xi1>, vector<1x1024xi32>
    %squeeze3A_966 = vector.shape_cast %select_n3A_964 : vector<1x1024xf32> to vector<1024xf32>
    %squeeze3A_967 = vector.shape_cast %select_n3A_965 : vector<1x1024xi32> to vector<1024xi32>
    %lt3A_968 = arith.cmpf olt, %squeeze3A_966, %select_n3A_830 : vector<1024xf32>
    %select_n3A_969 = arith.select %lt3A_968, %squeeze3A_967, %select_n3A_829 : vector<1024xi1>, vector<1024xi32>
    %select_n3A_970 = arith.select %lt3A_968, %squeeze3A_966, %select_n3A_830 : vector<1024xi1>, vector<1024xf32>
    %get3A_971 = arith.constant 7168 : index
    %get3A_972 = arith.constant 0 : index
    %get3A_973 = vector.load %arg2[%get3A_971, %get3A_972] : memref<8192x256xf32, #tpu.memory_space<vmem>>, vector<1024x256xf32>
    %mul3A_974 = arith.mulf %get3A_973, %get3A_973 : vector<1024x256xf32>
    %slice3A_975 = vector.extract_strided_slice %mul3A_974 {offsets = [0, 0], sizes = [1024, 128], strides = [1, 1]} : vector<1024x256xf32> to vector<1024x128xf32>
    %slice3A_976 = vector.extract_strided_slice %mul3A_974 {offsets = [0, 128], sizes = [1024, 128], strides = [1, 1]} : vector<1024x256xf32> to vector<1024x128xf32>
    %add3A_977 = arith.addf %slice3A_975, %slice3A_976 : vector<1024x128xf32>
    %reduce_sum3A_978 = arith.constant dense<0.000000e+00> : vector<1024xf32>
    %reduce_sum3A_979 = vector.multi_reduction <add>, %add3A_977, %reduce_sum3A_978 [1] : vector<1024x128xf32> to vector<1024xf32>
    %convert_element_type3A_980 = arith.truncf %get3A_973 : vector<1024x256xf32> to vector<1024x256xbf16>
    %dot_general3A_981 = arith.constant dense<0.000000e+00> : vector<1024x1024xf32>
    %dot_general3A_982 = tpu.matmul %convert_element_type3A_980, %convert_element_type3A, %dot_general3A_981 {dimension_numbers = #tpu.dot_dimension_numbers<[1], [1], [0], [0], [0, 0, 1, 0], [], []>, transpose_lhs_hint = false} : vector<1024x256xbf16>, vector<1024x256xbf16>, vector<1024x1024xf32> -> vector<1024x1024xf32>
    %broadcast_in_dim3A_983 = vector.shape_cast %reduce_sum3A_979 : vector<1024xf32> to vector<1024x1xf32>
    %broadcast_in_dim3A_984 = vector.shape_cast %reduce_sum3A_3 : vector<1024xf32> to vector<1x1024xf32>
    %add3A_985 = vector.broadcast %broadcast_in_dim3A_983 : vector<1024x1xf32> to vector<1024x1024xf32>
    %add3A_986 = vector.broadcast %broadcast_in_dim3A_984 : vector<1x1024xf32> to vector<1024x1024xf32>
    %add3A_987 = arith.addf %add3A_985, %add3A_986 : vector<1024x1024xf32>
    %mul3A_988 = arith.constant 2.000000e+00 : f32
    %mul3A_989 = vector.broadcast %mul3A_988 : f32 to vector<1024x1024xf32>
    %mul3A_990 = arith.mulf %mul3A_989, %dot_general3A_982 : vector<1024x1024xf32>
    %sub3A_991 = arith.subf %add3A_987, %mul3A_990 : vector<1024x1024xf32>
    %iota3A_992 = tpu.iota {dimensions = array<i32: 0>} : vector<1024x1024xi32>
    %add3A_993 = arith.constant 7168 : i32
    %add3A_994 = vector.broadcast %add3A_993 : i32 to vector<1024x1024xi32>
    %add3A_995 = arith.addi %iota3A_992, %add3A_994 : vector<1024x1024xi32>
    %slice3A_996 = vector.extract_strided_slice %sub3A_991 {offsets = [0, 0], sizes = [512, 1024], strides = [1, 1]} : vector<1024x1024xf32> to vector<512x1024xf32>
    %slice3A_997 = vector.extract_strided_slice %sub3A_991 {offsets = [512, 0], sizes = [512, 1024], strides = [1, 1]} : vector<1024x1024xf32> to vector<512x1024xf32>
    %slice3A_998 = vector.extract_strided_slice %add3A_995 {offsets = [0, 0], sizes = [512, 1024], strides = [1, 1]} : vector<1024x1024xi32> to vector<512x1024xi32>
    %slice3A_999 = vector.extract_strided_slice %add3A_995 {offsets = [512, 0], sizes = [512, 1024], strides = [1, 1]} : vector<1024x1024xi32> to vector<512x1024xi32>
    %lt3A_1000 = arith.cmpf olt, %slice3A_997, %slice3A_996 : vector<512x1024xf32>
    %eq3A_1001 = arith.cmpf oeq, %slice3A_997, %slice3A_996 : vector<512x1024xf32>
    %lt3A_1002 = arith.cmpi slt, %slice3A_999, %slice3A_998 : vector<512x1024xi32>
    %and3A_1003 = arith.andi %eq3A_1001, %lt3A_1002 : vector<512x1024xi1>
    %or3A_1004 = arith.ori %lt3A_1000, %and3A_1003 : vector<512x1024xi1>
    %select_n3A_1005 = arith.select %or3A_1004, %slice3A_997, %slice3A_996 : vector<512x1024xi1>, vector<512x1024xf32>
    %select_n3A_1006 = arith.select %or3A_1004, %slice3A_999, %slice3A_998 : vector<512x1024xi1>, vector<512x1024xi32>
    %slice3A_1007 = vector.extract_strided_slice %select_n3A_1005 {offsets = [0, 0], sizes = [256, 1024], strides = [1, 1]} : vector<512x1024xf32> to vector<256x1024xf32>
    %slice3A_1008 = vector.extract_strided_slice %select_n3A_1005 {offsets = [256, 0], sizes = [256, 1024], strides = [1, 1]} : vector<512x1024xf32> to vector<256x1024xf32>
    %slice3A_1009 = vector.extract_strided_slice %select_n3A_1006 {offsets = [0, 0], sizes = [256, 1024], strides = [1, 1]} : vector<512x1024xi32> to vector<256x1024xi32>
    %slice3A_1010 = vector.extract_strided_slice %select_n3A_1006 {offsets = [256, 0], sizes = [256, 1024], strides = [1, 1]} : vector<512x1024xi32> to vector<256x1024xi32>
    %lt3A_1011 = arith.cmpf olt, %slice3A_1008, %slice3A_1007 : vector<256x1024xf32>
    %eq3A_1012 = arith.cmpf oeq, %slice3A_1008, %slice3A_1007 : vector<256x1024xf32>
    %lt3A_1013 = arith.cmpi slt, %slice3A_1010, %slice3A_1009 : vector<256x1024xi32>
    %and3A_1014 = arith.andi %eq3A_1012, %lt3A_1013 : vector<256x1024xi1>
    %or3A_1015 = arith.ori %lt3A_1011, %and3A_1014 : vector<256x1024xi1>
    %select_n3A_1016 = arith.select %or3A_1015, %slice3A_1008, %slice3A_1007 : vector<256x1024xi1>, vector<256x1024xf32>
    %select_n3A_1017 = arith.select %or3A_1015, %slice3A_1010, %slice3A_1009 : vector<256x1024xi1>, vector<256x1024xi32>
    %slice3A_1018 = vector.extract_strided_slice %select_n3A_1016 {offsets = [0, 0], sizes = [128, 1024], strides = [1, 1]} : vector<256x1024xf32> to vector<128x1024xf32>
    %slice3A_1019 = vector.extract_strided_slice %select_n3A_1016 {offsets = [128, 0], sizes = [128, 1024], strides = [1, 1]} : vector<256x1024xf32> to vector<128x1024xf32>
    %slice3A_1020 = vector.extract_strided_slice %select_n3A_1017 {offsets = [0, 0], sizes = [128, 1024], strides = [1, 1]} : vector<256x1024xi32> to vector<128x1024xi32>
    %slice3A_1021 = vector.extract_strided_slice %select_n3A_1017 {offsets = [128, 0], sizes = [128, 1024], strides = [1, 1]} : vector<256x1024xi32> to vector<128x1024xi32>
    %lt3A_1022 = arith.cmpf olt, %slice3A_1019, %slice3A_1018 : vector<128x1024xf32>
    %eq3A_1023 = arith.cmpf oeq, %slice3A_1019, %slice3A_1018 : vector<128x1024xf32>
    %lt3A_1024 = arith.cmpi slt, %slice3A_1021, %slice3A_1020 : vector<128x1024xi32>
    %and3A_1025 = arith.andi %eq3A_1023, %lt3A_1024 : vector<128x1024xi1>
    %or3A_1026 = arith.ori %lt3A_1022, %and3A_1025 : vector<128x1024xi1>
    %select_n3A_1027 = arith.select %or3A_1026, %slice3A_1019, %slice3A_1018 : vector<128x1024xi1>, vector<128x1024xf32>
    %select_n3A_1028 = arith.select %or3A_1026, %slice3A_1021, %slice3A_1020 : vector<128x1024xi1>, vector<128x1024xi32>
    %slice3A_1029 = vector.extract_strided_slice %select_n3A_1027 {offsets = [0, 0], sizes = [64, 1024], strides = [1, 1]} : vector<128x1024xf32> to vector<64x1024xf32>
    %slice3A_1030 = vector.extract_strided_slice %select_n3A_1027 {offsets = [64, 0], sizes = [64, 1024], strides = [1, 1]} : vector<128x1024xf32> to vector<64x1024xf32>
    %slice3A_1031 = vector.extract_strided_slice %select_n3A_1028 {offsets = [0, 0], sizes = [64, 1024], strides = [1, 1]} : vector<128x1024xi32> to vector<64x1024xi32>
    %slice3A_1032 = vector.extract_strided_slice %select_n3A_1028 {offsets = [64, 0], sizes = [64, 1024], strides = [1, 1]} : vector<128x1024xi32> to vector<64x1024xi32>
    %lt3A_1033 = arith.cmpf olt, %slice3A_1030, %slice3A_1029 : vector<64x1024xf32>
    %eq3A_1034 = arith.cmpf oeq, %slice3A_1030, %slice3A_1029 : vector<64x1024xf32>
    %lt3A_1035 = arith.cmpi slt, %slice3A_1032, %slice3A_1031 : vector<64x1024xi32>
    %and3A_1036 = arith.andi %eq3A_1034, %lt3A_1035 : vector<64x1024xi1>
    %or3A_1037 = arith.ori %lt3A_1033, %and3A_1036 : vector<64x1024xi1>
    %select_n3A_1038 = arith.select %or3A_1037, %slice3A_1030, %slice3A_1029 : vector<64x1024xi1>, vector<64x1024xf32>
    %select_n3A_1039 = arith.select %or3A_1037, %slice3A_1032, %slice3A_1031 : vector<64x1024xi1>, vector<64x1024xi32>
    %slice3A_1040 = vector.extract_strided_slice %select_n3A_1038 {offsets = [0, 0], sizes = [32, 1024], strides = [1, 1]} : vector<64x1024xf32> to vector<32x1024xf32>
    %slice3A_1041 = vector.extract_strided_slice %select_n3A_1038 {offsets = [32, 0], sizes = [32, 1024], strides = [1, 1]} : vector<64x1024xf32> to vector<32x1024xf32>
    %slice3A_1042 = vector.extract_strided_slice %select_n3A_1039 {offsets = [0, 0], sizes = [32, 1024], strides = [1, 1]} : vector<64x1024xi32> to vector<32x1024xi32>
    %slice3A_1043 = vector.extract_strided_slice %select_n3A_1039 {offsets = [32, 0], sizes = [32, 1024], strides = [1, 1]} : vector<64x1024xi32> to vector<32x1024xi32>
    %lt3A_1044 = arith.cmpf olt, %slice3A_1041, %slice3A_1040 : vector<32x1024xf32>
    %eq3A_1045 = arith.cmpf oeq, %slice3A_1041, %slice3A_1040 : vector<32x1024xf32>
    %lt3A_1046 = arith.cmpi slt, %slice3A_1043, %slice3A_1042 : vector<32x1024xi32>
    %and3A_1047 = arith.andi %eq3A_1045, %lt3A_1046 : vector<32x1024xi1>
    %or3A_1048 = arith.ori %lt3A_1044, %and3A_1047 : vector<32x1024xi1>
    %select_n3A_1049 = arith.select %or3A_1048, %slice3A_1041, %slice3A_1040 : vector<32x1024xi1>, vector<32x1024xf32>
    %select_n3A_1050 = arith.select %or3A_1048, %slice3A_1043, %slice3A_1042 : vector<32x1024xi1>, vector<32x1024xi32>
    %slice3A_1051 = vector.extract_strided_slice %select_n3A_1049 {offsets = [0, 0], sizes = [16, 1024], strides = [1, 1]} : vector<32x1024xf32> to vector<16x1024xf32>
    %slice3A_1052 = vector.extract_strided_slice %select_n3A_1049 {offsets = [16, 0], sizes = [16, 1024], strides = [1, 1]} : vector<32x1024xf32> to vector<16x1024xf32>
    %slice3A_1053 = vector.extract_strided_slice %select_n3A_1050 {offsets = [0, 0], sizes = [16, 1024], strides = [1, 1]} : vector<32x1024xi32> to vector<16x1024xi32>
    %slice3A_1054 = vector.extract_strided_slice %select_n3A_1050 {offsets = [16, 0], sizes = [16, 1024], strides = [1, 1]} : vector<32x1024xi32> to vector<16x1024xi32>
    %lt3A_1055 = arith.cmpf olt, %slice3A_1052, %slice3A_1051 : vector<16x1024xf32>
    %eq3A_1056 = arith.cmpf oeq, %slice3A_1052, %slice3A_1051 : vector<16x1024xf32>
    %lt3A_1057 = arith.cmpi slt, %slice3A_1054, %slice3A_1053 : vector<16x1024xi32>
    %and3A_1058 = arith.andi %eq3A_1056, %lt3A_1057 : vector<16x1024xi1>
    %or3A_1059 = arith.ori %lt3A_1055, %and3A_1058 : vector<16x1024xi1>
    %select_n3A_1060 = arith.select %or3A_1059, %slice3A_1052, %slice3A_1051 : vector<16x1024xi1>, vector<16x1024xf32>
    %select_n3A_1061 = arith.select %or3A_1059, %slice3A_1054, %slice3A_1053 : vector<16x1024xi1>, vector<16x1024xi32>
    %slice3A_1062 = vector.extract_strided_slice %select_n3A_1060 {offsets = [0, 0], sizes = [8, 1024], strides = [1, 1]} : vector<16x1024xf32> to vector<8x1024xf32>
    %slice3A_1063 = vector.extract_strided_slice %select_n3A_1060 {offsets = [8, 0], sizes = [8, 1024], strides = [1, 1]} : vector<16x1024xf32> to vector<8x1024xf32>
    %slice3A_1064 = vector.extract_strided_slice %select_n3A_1061 {offsets = [0, 0], sizes = [8, 1024], strides = [1, 1]} : vector<16x1024xi32> to vector<8x1024xi32>
    %slice3A_1065 = vector.extract_strided_slice %select_n3A_1061 {offsets = [8, 0], sizes = [8, 1024], strides = [1, 1]} : vector<16x1024xi32> to vector<8x1024xi32>
    %lt3A_1066 = arith.cmpf olt, %slice3A_1063, %slice3A_1062 : vector<8x1024xf32>
    %eq3A_1067 = arith.cmpf oeq, %slice3A_1063, %slice3A_1062 : vector<8x1024xf32>
    %lt3A_1068 = arith.cmpi slt, %slice3A_1065, %slice3A_1064 : vector<8x1024xi32>
    %and3A_1069 = arith.andi %eq3A_1067, %lt3A_1068 : vector<8x1024xi1>
    %or3A_1070 = arith.ori %lt3A_1066, %and3A_1069 : vector<8x1024xi1>
    %select_n3A_1071 = arith.select %or3A_1070, %slice3A_1063, %slice3A_1062 : vector<8x1024xi1>, vector<8x1024xf32>
    %select_n3A_1072 = arith.select %or3A_1070, %slice3A_1065, %slice3A_1064 : vector<8x1024xi1>, vector<8x1024xi32>
    %slice3A_1073 = vector.extract_strided_slice %select_n3A_1071 {offsets = [0, 0], sizes = [4, 1024], strides = [1, 1]} : vector<8x1024xf32> to vector<4x1024xf32>
    %slice3A_1074 = vector.extract_strided_slice %select_n3A_1071 {offsets = [4, 0], sizes = [4, 1024], strides = [1, 1]} : vector<8x1024xf32> to vector<4x1024xf32>
    %slice3A_1075 = vector.extract_strided_slice %select_n3A_1072 {offsets = [0, 0], sizes = [4, 1024], strides = [1, 1]} : vector<8x1024xi32> to vector<4x1024xi32>
    %slice3A_1076 = vector.extract_strided_slice %select_n3A_1072 {offsets = [4, 0], sizes = [4, 1024], strides = [1, 1]} : vector<8x1024xi32> to vector<4x1024xi32>
    %lt3A_1077 = arith.cmpf olt, %slice3A_1074, %slice3A_1073 : vector<4x1024xf32>
    %eq3A_1078 = arith.cmpf oeq, %slice3A_1074, %slice3A_1073 : vector<4x1024xf32>
    %lt3A_1079 = arith.cmpi slt, %slice3A_1076, %slice3A_1075 : vector<4x1024xi32>
    %and3A_1080 = arith.andi %eq3A_1078, %lt3A_1079 : vector<4x1024xi1>
    %or3A_1081 = arith.ori %lt3A_1077, %and3A_1080 : vector<4x1024xi1>
    %select_n3A_1082 = arith.select %or3A_1081, %slice3A_1074, %slice3A_1073 : vector<4x1024xi1>, vector<4x1024xf32>
    %select_n3A_1083 = arith.select %or3A_1081, %slice3A_1076, %slice3A_1075 : vector<4x1024xi1>, vector<4x1024xi32>
    %slice3A_1084 = vector.extract_strided_slice %select_n3A_1082 {offsets = [0, 0], sizes = [2, 1024], strides = [1, 1]} : vector<4x1024xf32> to vector<2x1024xf32>
    %slice3A_1085 = vector.extract_strided_slice %select_n3A_1082 {offsets = [2, 0], sizes = [2, 1024], strides = [1, 1]} : vector<4x1024xf32> to vector<2x1024xf32>
    %slice3A_1086 = vector.extract_strided_slice %select_n3A_1083 {offsets = [0, 0], sizes = [2, 1024], strides = [1, 1]} : vector<4x1024xi32> to vector<2x1024xi32>
    %slice3A_1087 = vector.extract_strided_slice %select_n3A_1083 {offsets = [2, 0], sizes = [2, 1024], strides = [1, 1]} : vector<4x1024xi32> to vector<2x1024xi32>
    %lt3A_1088 = arith.cmpf olt, %slice3A_1085, %slice3A_1084 : vector<2x1024xf32>
    %eq3A_1089 = arith.cmpf oeq, %slice3A_1085, %slice3A_1084 : vector<2x1024xf32>
    %lt3A_1090 = arith.cmpi slt, %slice3A_1087, %slice3A_1086 : vector<2x1024xi32>
    %and3A_1091 = arith.andi %eq3A_1089, %lt3A_1090 : vector<2x1024xi1>
    %or3A_1092 = arith.ori %lt3A_1088, %and3A_1091 : vector<2x1024xi1>
    %select_n3A_1093 = arith.select %or3A_1092, %slice3A_1085, %slice3A_1084 : vector<2x1024xi1>, vector<2x1024xf32>
    %select_n3A_1094 = arith.select %or3A_1092, %slice3A_1087, %slice3A_1086 : vector<2x1024xi1>, vector<2x1024xi32>
    %slice3A_1095 = vector.extract_strided_slice %select_n3A_1093 {offsets = [0, 0], sizes = [1, 1024], strides = [1, 1]} : vector<2x1024xf32> to vector<1x1024xf32>
    %slice3A_1096 = vector.extract_strided_slice %select_n3A_1093 {offsets = [1, 0], sizes = [1, 1024], strides = [1, 1]} : vector<2x1024xf32> to vector<1x1024xf32>
    %slice3A_1097 = vector.extract_strided_slice %select_n3A_1094 {offsets = [0, 0], sizes = [1, 1024], strides = [1, 1]} : vector<2x1024xi32> to vector<1x1024xi32>
    %slice3A_1098 = vector.extract_strided_slice %select_n3A_1094 {offsets = [1, 0], sizes = [1, 1024], strides = [1, 1]} : vector<2x1024xi32> to vector<1x1024xi32>
    %lt3A_1099 = arith.cmpf olt, %slice3A_1096, %slice3A_1095 : vector<1x1024xf32>
    %eq3A_1100 = arith.cmpf oeq, %slice3A_1096, %slice3A_1095 : vector<1x1024xf32>
    %lt3A_1101 = arith.cmpi slt, %slice3A_1098, %slice3A_1097 : vector<1x1024xi32>
    %and3A_1102 = arith.andi %eq3A_1100, %lt3A_1101 : vector<1x1024xi1>
    %or3A_1103 = arith.ori %lt3A_1099, %and3A_1102 : vector<1x1024xi1>
    %select_n3A_1104 = arith.select %or3A_1103, %slice3A_1096, %slice3A_1095 : vector<1x1024xi1>, vector<1x1024xf32>
    %select_n3A_1105 = arith.select %or3A_1103, %slice3A_1098, %slice3A_1097 : vector<1x1024xi1>, vector<1x1024xi32>
    %squeeze3A_1106 = vector.shape_cast %select_n3A_1104 : vector<1x1024xf32> to vector<1024xf32>
    %squeeze3A_1107 = vector.shape_cast %select_n3A_1105 : vector<1x1024xi32> to vector<1024xi32>
    %lt3A_1108 = arith.cmpf olt, %squeeze3A_1106, %select_n3A_970 : vector<1024xf32>
    %select_n3A_1109 = arith.select %lt3A_1108, %squeeze3A_1107, %select_n3A_969 : vector<1024xi1>, vector<1024xi32>
    %select_n3A_1110 = arith.select %lt3A_1108, %squeeze3A_1106, %select_n3A_970 : vector<1024xi1>, vector<1024xf32>
    %swap3A = arith.constant 0 : index
    %swap3A_1111 = arith.constant 0 : index
    %swap3A_1112 = arith.constant 0 : index
    %swap3A_1113 = vector.load %arg3[%swap3A, %swap3A_1111, %swap3A_1112] : memref<1x1x1024xi32, #tpu.memory_space<vmem>>, vector<1x1x1024xi32>
    %swap3A_1114 = vector.shape_cast %swap3A_1113 : vector<1x1x1024xi32> to vector<1024xi32>
    %swap3A_1115 = vector.shape_cast %select_n3A_1109 : vector<1024xi32> to vector<1x1x1024xi32>
    tpu.vector_store %arg3[%swap3A, %swap3A_1111, %swap3A_1112], %swap3A_1115 {strides = array<i32>} : memref<1x1x1024xi32, #tpu.memory_space<vmem>>, vector<1x1x1024xi32>,
    %reduce_sum3A_1116 = vector.shape_cast %select_n3A_1110 : vector<1024xf32> to vector<1x1024xf32>
    %reduce_sum3A_1117 = arith.constant dense<0.000000e+00> : vector<1xf32>
    %reduce_sum3A_1118 = vector.multi_reduction <add>, %reduce_sum3A_1116, %reduce_sum3A_1117 [1] : vector<1x1024xf32> to vector<1xf32>
    %reduce_sum3A_1119 = vector.shape_cast %reduce_sum3A_1118 : vector<1xf32> to vector<1x1xf32>
    %reduce_sum3A_1120 = vector.extract %reduce_sum3A_1119[0, 0] : f32 from vector<1x1xf32>
    %reshape3A = vector.broadcast %reduce_sum3A_1120 : f32 to vector<1x1xf32>
    %eq3A_1121 = arith.constant 0 : i32
    %eq3A_1122 = arith.cmpi eq, %arg0, %eq3A_1121 : i32
    %get3A_1123 = arith.constant 0 : index
    %get3A_1124 = arith.constant 0 : index
    %get3A_1125 = vector.load %arg4[%get3A_1123, %get3A_1124] : memref<1x1xf32, #tpu.memory_space<vmem>>, vector<1x1xf32>
    %add3A_1126 = arith.addf %get3A_1125, %reshape3A : vector<1x1xf32>
    %select_n3A_1127 = arith.select %eq3A_1122, %reshape3A, %add3A_1126 : vector<1x1xf32>
    %eq3A_1128 = arith.constant 7 : i32
    %eq3A_1129 = arith.cmpi eq, %arg0, %eq3A_1128 : i32
    %mul3A_1130 = arith.constant 1.1920929E-7 : f32
    %mul3A_1131 = vector.broadcast %mul3A_1130 : f32 to vector<1x1xf32>
    %mul3A_1132 = arith.mulf %select_n3A_1127, %mul3A_1131 : vector<1x1xf32>
    %select_n3A_1133 = arith.select %eq3A_1129, %mul3A_1132, %select_n3A_1127 : vector<1x1xf32>
    %swap3A_1134 = arith.constant 0 : index
    %swap3A_1135 = arith.constant 0 : index
    %swap3A_1136 = vector.load %arg4[%swap3A_1134, %swap3A_1135] : memref<1x1xf32, #tpu.memory_space<vmem>>, vector<1x1xf32>
    tpu.vector_store %arg4[%swap3A_1134, %swap3A_1135], %select_n3A_1133 {strides = array<i32>} : memref<1x1xf32, #tpu.memory_space<vmem>>, vector<1x1xf32>,
    return
  }
  func.func @transform_0(%arg0: i32) -> (i32, i32) {
    %c0_i32 = arith.constant 0 : i32
    %c0_i32_0 = arith.constant 0 : i32
    return %arg0, %c0_i32 : i32, i32
  }
  func.func @transform_1(%arg0: i32) -> (i32, i32) {
    %c0_i32 = arith.constant 0 : i32
    %c0_i32_0 = arith.constant 0 : i32
    %c0_i32_1 = arith.constant 0 : i32
    return %c0_i32, %c0_i32_0 : i32, i32
  }
  func.func @transform_2(%arg0: i32) -> (i32, i32, i32) {
    %c0_i32 = arith.constant 0 : i32
    %c0_i32_0 = arith.constant 0 : i32
    %c0_i32_1 = arith.constant 0 : i32
    return %arg0, %c0_i32, %c0_i32_0 : i32, i32, i32
  }
  func.func @transform_3(%arg0: i32) -> (i32, i32) {
    %c0_i32 = arith.constant 0 : i32
    %c0_i32_0 = arith.constant 0 : i32
    %c0_i32_1 = arith.constant 0 : i32
    return %c0_i32, %c0_i32_0 : i32, i32
  }
}

</mosaic_0001>

<sc_bundles>
// kernel: kernel.4.cloned.1.call-start
scs
__scs_entry_jumppad:
0x0: {  	(pc) =	sbr.rel $0x88, $3  }
0x1: {  	(tag) =	ssettag $0x0;
	lr =	simm.s32 $0x1  }
0x2: {  	[smem:$0x3F9F] =	sst lr;
	_ =	strace $0xD0000000  }
0x3: {  	_ = 	snop  }
0x4: {  	_ = 	snop  }
0x5: {  	_ = 	snop  }
0x6: {  	_ = 	snop  }
0x7: {  	_ = 	snop  }
__scs_overlays_trampoline_lowered:
0x8: {  	[smem:$0x3FAE] =	sst s0  }
0x9: {  	[smem:$0x3FAF] =	sst s1  }
0xa: {  	[smem:$0x3FB0] =	sst s2  }
0xb: {  	[smem:$0x3FB1] =	sst s3  }
0xc: {  	[smem:$0x3FB2] =	sst s4  }
0xd: {  	[smem:$0x3FB3] =	sst s5  }
0xe: {  	[smem:$0x3FB4] =	sst s6  }
0xf: {  	[smem:$0x3FB5] =	sst s7  }
0x10: {  	[smem:$0x3FB6] =	sst s8  }
0x11: {  	[smem:$0x3FB7] =	sst s9;
	s0 =	simm.s32 @!p0 $0x0  }
0x12: {  	s1 =	sld [smem:$0x3F9D];
	s0 =	simm.s32 @p0 $0x1  }
0x13: {  	[smem:$0x3FB8] =	sst s0;
	s0 =	simm.s32 @!p1 $0x0  }
0x14: {  	s2 =	sld [smem:$0x3F9C];
	s0 =	simm.s32 @p1 $0x1  }
0x15: {  	[smem:$0x3FB9] =	sst s0;
	s0 =	simm.s32 @!p2 $0x0  }
0x16: {  	s3 =	sld [smem:$0x3FDB];
	s0 =	simm.s32 @p2 $0x1  }
0x17: {  	s4 =	simm.s32 $0x1BF5;
	[smem:$0x3FBB] =	sst s0  }
0x18: {  	s0 =	sld [smem:$0x3F9E];
	_ =	swait.ge [sflag:s4], $0x0  }
0x19: {  	s7 =	sld [smem:$0x3F9F]  }
0x1a: {  	s8 =	sadd.s32 $0xFFFFE003, lr  }
0x1b: {  	s9 =	sadd.s32 $0xFFFFFEF7, lr;
	s5 =	simm.s32 $0xFFFFFFFF;
	p2 =	slt.u32 s8, $0xFFFFF086  }
0x1c: {  	p1 =	slt.u32 s9, $0xF7A;
	s5 =	simm.s32 @!p2 $0x0  }
0x1d: {  	s5 =	simm.s32 @p1 $0x1;
	p0 =	seq.s32 s7, s2  }
0x1e: {  	s7 =	smul.u32 @!p0 $0xF7A, s2;
	p2 =	seq.s32 @!p0 s5, $0x0  }
0x1f: {  	s9 =	smul.u32 $0xF7A, s1;
	s8 =	simm.s32 @!p0 $0x1BF5;
	p2 =	por !p2, p0  }
0x20: {  	[sflag:s8] =	ssyncset.s32 @!p0 $0xFFFFF086;
	s6 =	sadd.s32 @!p0 s3, s7;
	s7 =	simm.s32 @!p0 $0x108  }
0x21: {  	s3 =	sadd.s32 s3, s9;
	s6 =	sadd.s32 @!p0 $0x88, s6;
	s7 =	simm.s32 @p2 $0x1082  }
0x22: {  	[simem:s7], [sflag:s8] =	dma.local @!p0 [hbm:s6], $0xF7A  }
0x23: {  	s9 =	sor.u32 $0xD0000000, s2;
	s6 =	simm.s32 $0x108;
	_ =	swait.ge @!p0 [sflag:s8], $0x0  }
0x24: {  	s3 =	sadd.s32 $0x88, s3;
	s6 =	simm.s32 @!p1 $0x1082;
	[sflag:s4] =	ssyncset.s32 $0xFFFFF086  }
0x25: {  	[simem:s6], [sflag:s4] =	dma.local [hbm:s3], $0xF7A  }
0x26: {  	[smem:$0x3F9F] =	sst s1;
	(tag) =	ssettag s2;
	_ =	strace s9  }
0x27: {  	s1 =	sld [smem:$0x3FAF]  }
0x28: {  	s2 =	sld [smem:$0x3FB0]  }
0x29: {  	s4 =	sld [smem:$0x3FB2]  }
0x2a: {  	p0 =	seq.s32 s5, $0x0;
	s5 =	sld [smem:$0x3FB3]  }
0x2b: {  	s6 =	sld [smem:$0x3FB4]  }
0x2c: {  	s7 =	sld [smem:$0x3FB5]  }
0x2d: {  	s3 =	simm.s32 $0x108;
	s8 =	sld [smem:$0x3FB6]  }
0x2e: {  	s3 =	simm.s32 @!p0 $0x1082;
	s9 =	sld [smem:$0x3FB7]  }
0x2f: {  	lr =	sadd.s32 s0, s3;
	s0 =	sld [smem:$0x3FAE]  }
0x30: {  	s3 =	sld [smem:$0x3FB1]  }
0x31: {  	[smem:$0x3FBA] =	sst s10  }
0x32: {  	s10 =	sld [smem:$0x3FB8];
	_ =	sdelay $0x3  }
0x33: {  	p0 =	seq.s32 s10, $0x1;
	s10 =	sld [smem:$0x3FBA];
	_ =	sdelay $0x3  }
0x34: {  	[smem:$0x3FBA] =	sst s10  }
0x35: {  	s10 =	sld [smem:$0x3FB9];
	_ =	sdelay $0x3  }
0x36: {  	p1 =	seq.s32 s10, $0x1;
	s10 =	sld [smem:$0x3FBA];
	_ =	sdelay $0x3  }
0x37: {  	[smem:$0x3FBA] =	sst s10  }
0x38: {  	s10 =	sld [smem:$0x3FBB]  }
0x39: {  	_ = 	snop;
	(pc) =	sbr.ind lr, $3  }
0x3a: {  	_ = 	snop  }
0x3b: {  	_ = 	snop  }
0x3c: {  	p2 =	seq.s32 s10, $0x1;
	s10 =	sld [smem:$0x3FBA]  }
0x3d: {  	_ =	shalt  }
0x3e: {  	_ =	shalt  }
0x3f: {  	_ =	shalt  }
0x40: {  	_ =	shalt  }
0x41: {  	_ =	shalt  }
0x42: {  	_ =	shalt  }
0x43: {  	_ =	shalt  }
0x44: {  	_ =	shalt  }
0x45: {  	_ =	shalt  }
0x46: {  	_ =	shalt  }
0x47: {  	_ =	shalt  }
0x48: {  	_ =	shalt  }
0x49: {  	_ =	shalt  }
0x4a: {  	_ =	shalt  }
0x4b: {  	_ =	shalt  }
0x4c: {  	_ =	shalt  }
0x4d: {  	_ =	shalt  }
0x4e: {  	_ =	shalt  }
0x4f: {  	_ =	shalt  }
0x50: {  	_ =	shalt  }
0x51: {  	_ =	shalt  }
0x52: {  	_ =	shalt  }
0x53: {  	_ =	shalt  }
0x54: {  	_ =	shalt  }
0x55: {  	_ =	shalt  }
0x56: {  	_ =	shalt  }
0x57: {  	_ =	shalt  }
0x58: {  	_ =	shalt  }
0x59: {  	_ =	shalt  }
0x5a: {  	_ =	shalt  }
0x5b: {  	_ =	shalt  }
0x5c: {  	_ =	shalt  }
0x5d: {  	_ =	shalt  }
0x5e: {  	_ =	shalt  }
0x5f: {  	_ =	shalt  }
0x60: {  	_ =	shalt  }
0x61: {  	_ =	shalt  }
0x62: {  	_ =	shalt  }
0x63: {  	_ =	shalt  }
0x64: {  	_ =	shalt  }
0x65: {  	_ =	shalt  }
0x66: {  	_ =	shalt  }
0x67: {  	_ =	shalt  }
0x68: {  	_ =	shalt  }
0x69: {  	_ =	shalt  }
0x6a: {  	_ =	shalt  }
0x6b: {  	_ =	shalt  }
0x6c: {  	_ =	shalt  }
0x6d: {  	_ =	shalt  }
0x6e: {  	_ =	shalt  }
0x6f: {  	_ =	shalt  }
0x70: {  	_ =	shalt  }
0x71: {  	_ =	shalt  }
0x72: {  	_ =	shalt  }
0x73: {  	_ =	shalt  }
0x74: {  	_ =	shalt  }
0x75: {  	_ =	shalt  }
0x76: {  	_ =	shalt  }
0x77: {  	_ =	shalt  }
0x78: {  	_ =	shalt  }
0x79: {  	_ =	shalt  }
0x7a: {  	_ =	shalt  }
0x7b: {  	_ =	shalt  }
0x7c: {  	_ =	shalt  }
0x7d: {  	_ =	shalt  }
0x7e: {  	_ =	shalt  }
0x7f: {  	_ =	shalt  }
0x80: {  	_ =	shalt  }
0x81: {  	_ =	shalt  }
0x82: {  	_ =	shalt  }
0x83: {  	_ =	shalt  }
0x84: {  	_ =	shalt  }
0x85: {  	_ =	shalt  }
0x86: {  	_ =	shalt  }
0x87: {  	_ =	shalt  }
.Lfunc_end0:
.L_simem_size_0:
called_computation_lowered:
.L_overlay_start_0:
0x88: {  	s2 =	sld [smem:$0x3FD9]  }
0x89: {  	s3 =	sld [smem:$0x3FFE];
	_ =	sdelay $0x1  }
0x8a: {  	s1 =	srdreg.scid  }
0x8b: {  	s0 =	sand.u32 $0x1, s1  }
0x8c: {  	s14 =	sshll.u32 s0, $0xA;
	s2 =	sadd.s32 s3, s2  }
0x8d: {  	s2 =	sadd.s32 s2, s14  }
0x8e: {  	[smem:$0x3FC6] =	sst s2  }
0x8f: {  	_ = 	snop  }
0x90: {  	s2 =	sld [smem:$0x3FD0];
	_ =	sdelay $0x2  }
0x91: {  	s4 =	simm.s32 $0xA;
	s5 =	simm.s32 $0x10;
	s15 =	sld [smem:$0x3FC8]  }
0x92: {  	[smem:s5], [sflag:s4] =	dma.local [hbm:s2], $0x1  }
0x93: {  	_ =	swait.eq [sflag:s4], $0x1  }
0x94: {  	[sflag:s4] =	ssyncset.done $0x0  }
0x95: {  	[sflag:s4] =	ssyncadd.s32 $0xFFFFFFFF  }
0x96: {  	s16 =	sld [smem:$0x10];
	(tm) =	ssettm $0x1  }
0x97: {  	s17 =	sld [smem:$0x3FFB];
	_ =	sdelay $0x3  }
0x98: {  	_ =	strace s17  }
0x99: {  	s4 =	sld [smem:$0x3FFC];
	_ =	sdelay $0x3  }
0x9a: {  	_ =	strace s4  }
0x9b: {  	s4 =	sld [smem:$0x3FFD];
	_ =	sdelay $0x3  }
0x9c: {  	_ =	strace s4  }
0x9d: {  	_ =	strace $0x8FFFFFFF  }
0x9e: {  	s18 =	sld [smem:$0x3FDB];
	_ =	sdelay $0x1  }
0x9f: {  	s19 =	simm.s32 $_scs_section_size  }
0xa0: {  	s6 =	simm.s32 $_size__tile_overlayer_lowered;
	s7 =	simm.s32 $_tile_overlayer_lowered  }
0xa1: {  	s22 =	simm.s32 $0x1BFF;
	s21 =	sshll.u32 s7, $0x1;
	s4 =	sadd.s32 s19, s18  }
0xa2: {  	s8 =	simm.s32 $0x0;
	s20 =	sshll.u32 s6, $0x1;
	s6 =	sadd.s32 s21, s4  }
0xa3: {  	[timem:s8], [sflag:s22] =	dma.local [hbm:s6], s20  }
0xa4: {  	_ =	swait.ge [sflag:s22], s20  }
0xa5: {  	s5 =	ssub.s32 $0x0, s20;
	[sflag:s22] =	ssyncset.done $0x0  }
0xa6: {  	[sflag:s22] =	ssyncadd.s32 s5;
	_ =	sdelay $0x1  }
0xa7: {  	s23 =	simm.s32 $0x1B8B  }
0xa8: {  	_ =	swait.ge [sflag:s23], $0x1  }
0xa9: {  	[sflag:s23] =	ssyncset.done $0x0  }
0xaa: {  	s25 =	simm.s32 $0x1B8E;
	s24 =	sld [smem:$0x3FFE];
	[sflag:s23] =	ssyncadd.s32 $0xFFFFFFFF  }
0xab: {  	s26 =	simm.s32 $execute0_lowered;
	[smem:$0x3FD2] =	sst s25  }
0xac: {  	s6 =	sshll.u32 s26, $0x1;
	_ =	strace $0x80000046;
	[dreg:$0x1] =	wrdreg $0xFFFFFFFF  }
0xad: {  	s28 =	simm.s32 $_size_execute0_lowered;
	s4 =	sadd.s32 s4, s6;
	[dreg:$0x0] =	wrdreg $0x0  }
0xae: {  	s6 =	sshll.u32 s28, $0x1;
	[dreg:$0x2] =	wrdreg s4  }
0xaf: {  	[dreg:$0x3] =	wrdreg s6  }
0xb0: {  	[dreg:$0x4] =	wrdreg $0xC0  }
0xb1: {  	_ =	task [dreg:s8], $0x5FFFF  }
0xb2: {  	[dreg:$0x1] =	wrdreg $0xFFFFFFFF  }
0xb3: {  	[dreg:$0x0] =	wrdreg $0x60  }
0xb4: {  	[dreg:$0x2] =	wrdreg s15  }
0xb5: {  	[dreg:$0x3] =	wrdreg s24  }
0xb6: {  	[dreg:$0x4] =	wrdreg s16  }
0xb7: {  	[dreg:$0x5] =	wrdreg $0x9  }
0xb8: {  	_ =	task.clear_ibuf [dreg:s8], $0x6FFFF;
	_ =	strace $0x90000046  }
0xb9: {  	s29 =	simm.s32 $0x9;
	_ =	strace $0x8000004F  }
0xba: {  	_ =	swait.ge [sflag:s29], $0x1  }
0xbb: {  	[sflag:s29] =	ssyncadd.s32 $0xFFFFFFFF  }
0xbc: {  	_ =	strace $0x9000004F  }
0xbd: {  	_ =	sfence  }
0xbe: {  	s30 =	sld [smem:$0x0];
	_ =	sdelay $0x2  }
0xbf: {  	s31 =	sshll.u32 s1, $0xD;
	s1 =	sshrl.u32 s1, $0x2  }
0xc0: {  	s3 =	sand.u32 $0x4000, s31;
	s1 =	sadd.s32 s1, s30  }
0xc1: {  	s0 =	sor.u32 s3, s0;
	s1 =	sshll.u32 s1, $0x11  }
0xc2: {  	s0 =	sor.u32 s1, s0  }
0xc3: {  	s0 =	sadd.s32 $0x8F2B, s0  }
0xc4: {  	[sflag:s0] =	ssyncadd.remote.s32 $0x1  }
0xc5: {  	_ =	sfence.sel $0xFFFF  }
0xc6: {  	[dreg:$0x0] =	wrdreg $0xFFFFFFFF;
	(pc) =	sbr.abs _section_cstart, $3  }
0xc7: {  	[dreg:$0x1] =	wrdreg $0xFFFFFFFF  }
0xc8: {  	_ =	task.clear_ibuf [dreg:s8], $0x2FFFF;
	_ =	strace $0x9FFFFFFF  }
0xc9: {  	(tm) =	ssettm $0x7FFFFFFF  }
tec
execute0_lowered:
.L_overlay_start_1:
0x0: {  	(tag) =	ssettag $0x1  }
0x1: {  	s1 =	rddreg [dreg:$0x0]  }
0x2: {  	s5 =	rddreg [dreg:$0x1]  }
0x3: {  	s2 =	rddreg [dreg:$0x2]  }
0x4: {  	s0 =	rddreg [dreg:$0x3];
	s4 =	simm.s32 $0x0;
	s3 =	srdreg.scid  }
0x5: {  	s9 =	simm.s32 $0x5;
	s10 =	simm.s32 $0x4;
	s11 =	simm.s32 $0x0  }
.Ltmp0:
0x6: {  	[smem:$0x7FF] =	sst s4;
	s6 =	sand.u32 $0x1, s3;
	(pc) =	sbr.rel .LBB2_1-.Ltmp0, $4  }
0x7: {  	s3 =	stileid.u32;
	s7 =	ssub.s32 $0x2, s6;
	s6 =	sshll.u32 s6, $0x4  }
0x8: {  	v2 =	vlaneseq.u32;
	s5 =	sadd.s32 $0xA00, s5;
	s8 =	sshrl.u32 s7, $0x1;
	s6 =	sor.u32 s3, s6  }
0x9: {  	vm0 =	vmmov $0xffff;
	v1 =	vshrl.u32 v2, $0x3;
	_ =	strace $0x80000047;
	s8 =	ssub.s32 s7, s8;
	s31 =	sshll.u32 s6, $0x5  }
0xa: {  	v0 =	vand.u32 $0x7, v2;
	v2 =	vor.u32 $0x8, v2;
	v1 =	vmul.u32 $0x8, v1;
	s6 =	sshll.u32 s6, $0x1;
	s7 =	sadd.s32 s5, s31;
	s8 =	smax.u32 s8, $0x1  }
.LBB2_4:
0xb: {  	s12 =	sand.u32 $0x1, s12  }
0xc: {  	_ =	strace $0x8000004D;
	s12 =	sadd.s32 $0x3, s12  }
0xd: {  	_ =	swait.ge [sflag:s12], $0x8000  }
0xe: {  	[sflag:s12] =	ssyncset.done $0x0  }
0xf: {  	s11 =	sadd.s32 $0x1, s11;
	[sflag:s12] =	ssyncadd.s32 $0xFFFF8000  }
0x10: {  	p0 =	sne.s32 s11, s8;
	_ =	strace $0x9000004D  }
.Ltmp1:
0x11: {  	_ =	strace $0x8000004E;
	(pc) =	sbr.rel @!p0 .LBB2_5-.Ltmp1, $4  }
0x12: {  	_ =	swait.ge [sflag:s10], $0x8000  }
0x13: {  	[sflag:s10] =	ssyncset.done $0x0  }
0x14: {  	[sflag:s10] =	ssyncadd.s32 $0xFFFF8000  }
0x15: {  	_ =	strace $0x9000004E  }
.LBB2_1:
0x16: {  	_ =	strace $0x80000048  }
0x17: {  	p0 =	por $0x1, $0x1;
	p2 =	por $0x0, $0x0;
	s13 =	simm.s32 $0x0  }
0x18: {  	s12 =	simm.s32 $0x0;
	s17 =	simm.s32 $0x0;
	s14 =	simm.s32 $0x0  }
0x19: {  	[tilespmem:s4], [sflag:$0x1] =	stream.linear.gather [hbm4b:s7+s4], $0x80, $0x200038;
	[tilespmem:$0x10100] =	vst v63  }
0x1a: {  	s15 =	simm.s32 $0x1;
	s16 =	simm.s32 $0x0;
	_ =	strace $0x90000048  }
.LBB2_2:
0x1b: {  	s18 =	smov.u32 s13;
	s13 =	sadd.s32 $0x1, s13  }
0x1c: {  	p1 =	seq.s32 s13, $0x2  }
0x1d: {  	s13 =	simm.s32 @p1 $0x0  }
0x1e: {  	p1 =	sne.s32 s18, s13  }
0x1f: {  	p1 =	por !p0, !p1  }
0x20: {  	p1 =	por !p1, !p1  }
0x21: {  	s19 =	sadd.s32 @p1 s6, s13  }
0x22: {  	s20 =	sand.u32 @p1 $0x1, s15;
	s19 =	sshll.u32 @p1 s19, $0x4  }
0x23: {  	_ =	strace @p1 $0x80000049;
	s22 =	simm.s32 @p1 $0x0;
	s19 =	sand.u32 @p1 $0x1FFFFFF0, s19  }
0x24: {  	s21 =	sshll.u32 @p1 s20, $0x7;
	s20 =	sadd.s32 @p1 $0x1, s20;
	s19 =	sadd.s32 @p1 s5, s19  }
0x25: {  	[tilespmem:s21], [sflag:s20] =	stream.linear.gather @p1 [hbm4b:s19+s22], $0x80, $0x200038;
	[tilespmem:$0x10100] =	vst v63  }
0x26: {  	s23 =	sand.u32 $0x1, s14;
	_ =	strace @p1 $0x90000049  }
0x27: {  	s19 =	sadd.s32 $0x1, s23;
	_ =	strace $0x8000004A  }
0x28: {  	_ =	swait.ge [sflag:s19], $0x80  }
0x29: {  	[sflag:s19] =	ssyncset.done $0x0  }
0x2a: {  	[sflag:s19] =	ssyncadd.s32 $0xFFFFFF80  }
0x2b: {  	s24 =	sshll.u32 s14, $0x7;
	_ =	strace $0x9000004A  }
0x2c: {  	s22 =	sand.u32 $0x80, s24;
	_ =	strace $0x8000004B  }
0x2d: {  	v3 =	vld [tilespmem:s22+$0x0];
	_ =	sdelay $0x4  }
0x2e: {  	v4 =	vshll.u32 v3, $0x1  }
0x2f: {  	v3 =	vand.u32 $0x7, v3;
	v4 =	vand.u32 $0xFFFFFFF0, v4  }
0x30: {  	v3 =	vor.u32 v3, v4  }
0x31: {  	v4 =	vperm.xlane v3, v0;
	_ =	sdelay $0x1  }
0x32: {  	v3 =	vperm.xlane v3, v2;
	v4 =	vadd.s32 v1, v4;
	_ =	sdelay $0x1  }
0x33: {  	s19 =	sand.u32 $0x1, s17;
	v3 =	vadd.s32 v1, v3  }
0x34: {  	s21 =	sshll.u32 s19, $0xF  }
0x35: {  	s20 =	sor.u32 $0x100, s21  }
0x36: {  	[tilespmem:s20], [sflag:$0x5] =	stream.indirect_vreg.gather [hbm4b:s1+s4], $0x80, v4, vm0, $0x2000b8;
	[tilespmem:$0x10100] =	vst v63  }
0x37: {  	s23 =	sor.u32 $0x900, s21  }
0x38: {  	[tilespmem:s23], [sflag:$0x5] =	stream.indirect_vreg.gather [hbm4b:s1+s4], $0x80, v3, vm0, $0x2000b8;
	[tilespmem:$0x10100] =	vst v63  }
0x39: {  	v3 =	vld [tilespmem:s22+$0x10];
	_ =	sdelay $0x4  }
0x3a: {  	v57 =	vshll.u32 v3, $0x1  }
0x3b: {  	v3 =	vand.u32 $0x7, v3;
	v4 =	vand.u32 $0xFFFFFFF0, v57  }
0x3c: {  	v3 =	vor.u32 v3, v4  }
0x3d: {  	v4 =	vperm.xlane v3, v0;
	_ =	sdelay $0x1  }
0x3e: {  	v3 =	vperm.xlane v3, v2;
	v4 =	vadd.s32 v1, v4;
	_ =	sdelay $0x1  }
0x3f: {  	v3 =	vadd.s32 v1, v3;
	_ =	sdelay $0x1  }
0x40: {  	s25 =	sor.u32 $0x1100, s21  }
0x41: {  	[tilespmem:s25], [sflag:$0x5] =	stream.indirect_vreg.gather [hbm4b:s1+s4], $0x80, v4, vm0, $0x2000b8;
	[tilespmem:$0x10100] =	vst v63  }
0x42: {  	s26 =	sor.u32 $0x1900, s21  }
0x43: {  	[tilespmem:s26], [sflag:$0x5] =	stream.indirect_vreg.gather [hbm4b:s1+s4], $0x80, v3, vm0, $0x2000b8;
	[tilespmem:$0x10100] =	vst v63  }
0x44: {  	v3 =	vld [tilespmem:s22+$0x20];
	_ =	sdelay $0x4  }
0x45: {  	v58 =	vshll.u32 v3, $0x1  }
0x46: {  	v3 =	vand.u32 $0x7, v3;
	v4 =	vand.u32 $0xFFFFFFF0, v58  }
0x47: {  	v3 =	vor.u32 v3, v4  }
0x48: {  	v4 =	vperm.xlane v3, v0;
	_ =	sdelay $0x1  }
0x49: {  	v3 =	vperm.xlane v3, v2;
	v4 =	vadd.s32 v1, v4;
	_ =	sdelay $0x1  }
0x4a: {  	v3 =	vadd.s32 v1, v3;
	_ =	sdelay $0x1  }
0x4b: {  	s28 =	sor.u32 $0x2100, s21  }
0x4c: {  	[tilespmem:s28], [sflag:$0x5] =	stream.indirect_vreg.gather [hbm4b:s1+s4], $0x80, v4, vm0, $0x2000b8;
	[tilespmem:$0x10100] =	vst v63  }
0x4d: {  	s29 =	sor.u32 $0x2900, s21  }
0x4e: {  	[tilespmem:s29], [sflag:$0x5] =	stream.indirect_vreg.gather [hbm4b:s1+s4], $0x80, v3, vm0, $0x2000b8;
	[tilespmem:$0x10100] =	vst v63  }
0x4f: {  	v3 =	vld [tilespmem:s22+$0x30];
	_ =	sdelay $0x4  }
0x50: {  	v59 =	vshll.u32 v3, $0x1  }
0x51: {  	v3 =	vand.u32 $0x7, v3;
	v4 =	vand.u32 $0xFFFFFFF0, v59  }
0x52: {  	v3 =	vor.u32 v3, v4  }
0x53: {  	v4 =	vperm.xlane v3, v0;
	_ =	sdelay $0x1  }
0x54: {  	v3 =	vperm.xlane v3, v2;
	v4 =	vadd.s32 v1, v4;
	_ =	sdelay $0x1  }
0x55: {  	v3 =	vadd.s32 v1, v3;
	_ =	sdelay $0x1  }
0x56: {  	s30 =	sor.u32 $0x3100, s21  }
0x57: {  	[tilespmem:s30], [sflag:$0x5] =	stream.indirect_vreg.gather [hbm4b:s1+s4], $0x80, v4, vm0, $0x2000b8;
	[tilespmem:$0x10100] =	vst v63  }
0x58: {  	s31 =	sor.u32 $0x3900, s21  }
0x59: {  	[tilespmem:s31], [sflag:$0x5] =	stream.indirect_vreg.gather [hbm4b:s1+s4], $0x80, v3, vm0, $0x2000b8;
	[tilespmem:$0x10100] =	vst v63  }
0x5a: {  	v3 =	vld [tilespmem:s22+$0x40];
	_ =	sdelay $0x4  }
0x5b: {  	v60 =	vshll.u32 v3, $0x1  }
0x5c: {  	v3 =	vand.u32 $0x7, v3;
	v4 =	vand.u32 $0xFFFFFFF0, v60  }
0x5d: {  	v3 =	vor.u32 v3, v4  }
0x5e: {  	v4 =	vperm.xlane v3, v0;
	_ =	sdelay $0x1  }
0x5f: {  	v3 =	vperm.xlane v3, v2;
	v4 =	vadd.s32 v1, v4;
	_ =	sdelay $0x1  }
0x60: {  	v3 =	vadd.s32 v1, v3;
	_ =	sdelay $0x1  }
0x61: {  	s24 =	sor.u32 $0x4100, s21  }
0x62: {  	[tilespmem:s24], [sflag:$0x5] =	stream.indirect_vreg.gather [hbm4b:s1+s4], $0x80, v4, vm0, $0x2000b8;
	[tilespmem:$0x10100] =	vst v63  }
0x63: {  	s25 =	sor.u32 $0x4900, s21  }
0x64: {  	[tilespmem:s25], [sflag:$0x5] =	stream.indirect_vreg.gather [hbm4b:s1+s4], $0x80, v3, vm0, $0x2000b8;
	[tilespmem:$0x10100] =	vst v63  }
0x65: {  	v3 =	vld [tilespmem:s22+$0x50];
	_ =	sdelay $0x4  }
0x66: {  	v61 =	vshll.u32 v3, $0x1  }
0x67: {  	v3 =	vand.u32 $0x7, v3;
	v4 =	vand.u32 $0xFFFFFFF0, v61  }
0x68: {  	v3 =	vor.u32 v3, v4  }
0x69: {  	v4 =	vperm.xlane v3, v0;
	_ =	sdelay $0x1  }
0x6a: {  	v3 =	vperm.xlane v3, v2;
	v4 =	vadd.s32 v1, v4;
	_ =	sdelay $0x1  }
0x6b: {  	v3 =	vadd.s32 v1, v3;
	_ =	sdelay $0x1  }
0x6c: {  	s26 =	sor.u32 $0x5100, s21  }
0x6d: {  	[tilespmem:s26], [sflag:$0x5] =	stream.indirect_vreg.gather [hbm4b:s1+s4], $0x80, v4, vm0, $0x2000b8;
	[tilespmem:$0x10100] =	vst v63  }
0x6e: {  	s28 =	sor.u32 $0x5900, s21  }
0x6f: {  	[tilespmem:s28], [sflag:$0x5] =	stream.indirect_vreg.gather [hbm4b:s1+s4], $0x80, v3, vm0, $0x2000b8;
	[tilespmem:$0x10100] =	vst v63  }
0x70: {  	v3 =	vld [tilespmem:s22+$0x60];
	_ =	sdelay $0x4  }
0x71: {  	v62 =	vshll.u32 v3, $0x1  }
0x72: {  	v3 =	vand.u32 $0x7, v3;
	v4 =	vand.u32 $0xFFFFFFF0, v62  }
0x73: {  	v3 =	vor.u32 v3, v4  }
0x74: {  	v4 =	vperm.xlane v3, v0;
	_ =	sdelay $0x1  }
0x75: {  	v3 =	vperm.xlane v3, v2;
	v4 =	vadd.s32 v1, v4;
	_ =	sdelay $0x1  }
0x76: {  	v3 =	vadd.s32 v1, v3;
	_ =	sdelay $0x1  }
0x77: {  	s29 =	sor.u32 $0x6100, s21  }
0x78: {  	[tilespmem:s29], [sflag:$0x5] =	stream.indirect_vreg.gather [hbm4b:s1+s4], $0x80, v4, vm0, $0x2000b8;
	[tilespmem:$0x10100] =	vst v63  }
0x79: {  	s30 =	sor.u32 $0x6900, s21  }
0x7a: {  	[tilespmem:s30], [sflag:$0x5] =	stream.indirect_vreg.gather [hbm4b:s1+s4], $0x80, v3, vm0, $0x2000b8;
	[tilespmem:$0x10100] =	vst v63  }
0x7b: {  	v3 =	vld [tilespmem:s22+$0x70];
	_ =	sdelay $0x4  }
0x7c: {  	v63 =	vshll.u32 v3, $0x1  }
0x7d: {  	v3 =	vand.u32 $0x7, v3;
	v4 =	vand.u32 $0xFFFFFFF0, v63  }
0x7e: {  	v3 =	vor.u32 v3, v4  }
0x7f: {  	v4 =	vperm.xlane v3, v0;
	_ =	sdelay $0x1  }
0x80: {  	v3 =	vperm.xlane v3, v2;
	v4 =	vadd.s32 v1, v4;
	_ =	sdelay $0x1  }
0x81: {  	v3 =	vadd.s32 v1, v3;
	_ =	sdelay $0x1  }
0x82: {  	p2 =	por !p2, !p2;
	p3 =	seq.s32 s18, s13;
	s31 =	sor.u32 $0x7100, s21  }
0x83: {  	[tilespmem:s31], [sflag:$0x5] =	stream.indirect_vreg.gather [hbm4b:s1+s4], $0x80, v4, vm0, $0x2000b8;
	[tilespmem:$0x10100] =	vst v63  }
0x84: {  	p2 =	por !p2, !p3;
	s21 =	sor.u32 $0x7900, s21  }
0x85: {  	[tilespmem:s21], [sflag:$0x5] =	stream.indirect_vreg.gather [hbm4b:s1+s4], $0x80, v3, vm0, $0x2000b8;
	[tilespmem:$0x10100] =	vst v63  }
0x86: {  	s18 =	sadd.s32 s6, s18;
	p2 =	por !p2, !p2;
	_ =	swait.ge [sflag:s9], $0x8000  }
0x87: {  	s18 =	sshll.u32 @!p2 s18, $0xC;
	p0 =	por p2, p0;
	[sflag:s9] =	ssyncset.done $0x0  }
.Ltmp2:
0x88: {  	s18 =	sand.u32 @!p2 $0x1FFFF000, s18;
	[sflag:s9] =	ssyncadd.s32 $0xFFFF8000;
	(pc) =	sbr.rel @!p0 .LBB2_4-.Ltmp2, $4  }
0x89: {  	s18 =	sadd.s32 @!p2 s2, s18;
	_ =	strace $0x9000004B  }
0x8a: {  	s19 =	sadd.s32 @!p2 $0x3, s19;
	s21 =	simm.s32 @!p2 $0x0;
	_ =	strace @!p2 $0x8000004C  }
0x8b: {  	[hbm4b:s18+s21] =	stream.linear.scatter @!p2 [tilespmem:s20], [sflag:s19], $0x8000, $0x200038;
	[tilespmem:$0x10100] =	vst v63  }
0x8c: {  	_ =	strace @!p2 $0x9000004C  }
.Ltmp3:
0x8d: {  	s18 =	simm.s32 $0x1;
	(pc) =	sbr.rel .LBB2_2-.Ltmp3, $4  }
0x8e: {  	s19 =	simm.s32 @!p2 $0x1;
	s12 =	sadd.s32 s16, s12;
	s18 =	simm.s32 @!p1 $0x0  }
0x8f: {  	s16 =	simm.s32 $0x1;
	s15 =	sadd.s32 s18, s15;
	s18 =	sadd.s32 @!p2 $0x1, s17  }
0x90: {  	p0 =	por $0x0, $0x0;
	s19 =	simm.s32 @p2 $0x0;
	s18 =	smov.u32 @p2 s17  }
0x91: {  	s14 =	sadd.s32 s14, s19;
	p2 =	por $0x1, $0x1;
	s17 =	smov.u32 s18  }
.LBB2_5:
0x92: {  	_ =	sfence.sel $0x180000  }
0x93: {  	[bflag:$0x0] =	sbarrier.arrive $0xFFFF  }
0x94: {  	p0 =	sne.s32 s3, $0x0;
	_ =	strace $0x90000047  }
0x95: {  	s0 =	sadd.s32 @!p0 $0x100000, s0;
	[bflag:$0x2] =	sbarrier.arrive $0xFFFF  }
0x96: {  	[sflag:s0] =	ssyncadd.tile.s32 @!p0 $0x1;
	_ =	shalt  }
.Lfunc_end2:
_tile_overlayer_lowered:
.L_overlay_start_2:
0x97: {  	(tag) =	ssettag $0x2  }
0x98: {  	s0 =	rddreg [dreg:$0x0];
	s2 =	stileid.u32  }
0x99: {  	s1 =	rddreg [dreg:$0x1];
	p0 =	sne.s32 s2, $0x0  }
0x9a: {  	s3 =	rddreg [dreg:$0x2];
	[bflag:$0x3] =	sbarrier.arrive $0xFFFF;
	s2 =	simm.s32 @!p0 $0x1C01  }
0x9b: {  	[timem:s3], [sflag:s2] =	dma.local @!p0 [hbm:s0], s1  }
0x9c: {  	s0 =	simm.s32 @!p0 $0x1  }
0x9d: {  	_ =	swait.ge @!p0 [sflag:s0], s1  }
0x9e: {  	s1 =	ssub.s32 @!p0 $0x0, s1;
	[sflag:s0] =	ssyncset.done @!p0 $0x0  }
0x9f: {  	[sflag:s0] =	ssyncadd.s32 @!p0 s1  }
0xa0: {  	[bflag:$0x3] =	sbarrier.arrive $0xFFFF  }
0xa1: {  	_ =	shalt  }

</sc_bundles>
